<compile_context>
chip_gen: v7x
topology: tpu7x:2x2x1
jax: 0.10.2.dev20260603
libtpu: 0.0.44.dev20260713+nightly
codegen_flags: <defaults>
</compile_context>

<pallas_src>
import functools
import math

import jax
import jax.numpy as jnp
from jax import lax
from jax.experimental import pallas as pl
from jax.experimental.pallas import tpu as pltpu
from jax.experimental.pallas import tpu_sc as plsc

_L = 16


def _route_body(scores_hbm, x_hbm, gti_hbm, gflat_hbm, ri_hbm,
                row_v, idx_v, gidx_v, gidx_a, gidx_b, val_v, val_a, val_b,
                sums_v, sums_sh, buf0_v, buf1_v, gsem, wsem):
    c = lax.axis_index("c")
    s = lax.axis_index("s")
    slen = row_v.shape[0]
    cap = val_v.shape[0]
    nsl = slen // _L
    iota = lax.iota(jnp.int32, _L)

    nz = sums_v.shape[0] // (_L * 16)
    for k in range(nz):
        val_v[pl.ds(k * _L, _L)] = jnp.zeros((_L,), jnp.float32)
    pltpu.sync_copy(val_v.at[pl.ds(0, nz * _L)],
                    sums_sh.at[pl.ds(s * nz * _L, nz * _L)])
    plsc.subcore_barrier()

    @pl.when(c == 0)
    def _select():
        pltpu.sync_copy(scores_hbm.at[pl.ds(s * slen, slen)], row_v)

        def count_ge(t):
            tf = lax.bitcast_convert_type(t, jnp.float32)

            def step(j, acc):
                v = row_v[pl.ds(j * _L, _L)]
                return acc + jnp.where(v >= tf, 1, 0).astype(jnp.int32)
            accv = lax.fori_loop(0, nsl, step, jnp.zeros((_L,), jnp.int32))
            return jnp.sum(accv)

        def bstep(_, lohi):
            lo, hi = lohi
            mid = lax.div(lo + hi + jnp.int32(1), jnp.int32(2))
            take = count_ge(mid) >= cap
            return (jnp.where(take, mid, lo),
                    jnp.where(take, hi, mid - 1))

        thr, _ = lax.fori_loop(
            0, 31, bstep, (jnp.int32(0), jnp.int32(0x3F800000)))
        thr_f = lax.bitcast_convert_type(thr, jnp.float32)

        def comp(j, pos, strict):
            v = row_v[pl.ds(j * _L, _L)]
            m = (v > thr_f) if strict else (v == thr_f)
            mi = m.astype(jnp.int32)
            pref = plsc.cumsum(mi)
            dest = pos + pref - 1
            plsc.store_scatter(idx_v, [dest], j * _L + iota, mask=m)
            return pos + jnp.sum(mi)

        pos = lax.fori_loop(0, nsl, lambda j, p: comp(j, p, True),
                            jnp.int32(0))
        lax.fori_loop(0, nsl, lambda j, p: comp(j, p, False), pos)

        boff = lax.rem(s, jnp.int32(2)) * slen
        for k in range(cap // _L):
            ii = idx_v[pl.ds(k * _L, _L)]
            val_v[pl.ds(k * _L, _L)] = plsc.load_gather(row_v, [ii])
            gidx_v[pl.ds(k * _L, _L)] = ii + boff
        half = cap // 2
        for k in range(half // _L):
            gidx_a[pl.ds(k * _L, _L)] = gidx_v[pl.ds(k * _L, _L)]
            val_a[pl.ds(k * _L, _L)] = val_v[pl.ds(k * _L, _L)]
            gidx_b[pl.ds(k * _L, _L)] = gidx_v[pl.ds(half + k * _L, _L)]
            val_b[pl.ds(k * _L, _L)] = val_v[pl.ds(half + k * _L, _L)]

    plsc.subcore_barrier()

    @pl.when(c == 0)
    def _accum():
        pltpu.sync_copy(val_a, sums_sh.at[gidx_a], add=True)
        pltpu.sync_copy(val_b, sums_sh.at[gidx_b], add=True)

    plsc.subcore_barrier()

    @pl.when(c == 0)
    def _norm_and_emit():
        pltpu.sync_copy(sums_sh, sums_v)
        for k in range(cap // _L):
            ii = gidx_v[pl.ds(k * _L, _L)]
            sv = plsc.load_gather(sums_v, [ii])
            g = val_v[pl.ds(k * _L, _L)] / (sv + jnp.float32(1e-12))
            val_v[pl.ds(k * _L, _L)] = g
        pltpu.sync_copy(gidx_v, gti_hbm.at[pl.ds(s * cap, cap)])
        pltpu.sync_copy(val_v, gflat_hbm.at[pl.ds(s * cap, cap)])

        nrow = buf0_v.shape[0]
        nch = cap // nrow
        bufs = (buf0_v, buf1_v)

        def g_start(k):
            return pltpu.async_copy(
                x_hbm.at[gidx_v.at[pl.ds(k * nrow, nrow)]],
                bufs[k % 2], gsem)

        def w_start(k):
            return pltpu.async_copy(
                bufs[k % 2],
                ri_hbm.at[pl.ds(s * cap + k * nrow, nrow), :], wsem)

        g = g_start(0)
        for k in range(nch):
            g.wait()
            w = w_start(k)
            if k + 1 < nch:
                g = g_start(k + 1)
            w.wait()


def _make_route(n_rows, slen, cap, n_tok, dim):
    mesh = plsc.VectorSubcoreMesh(core_axis_name="c", subcore_axis_name="s",
                                  num_cores=2, num_subcores=16)
    return pl.kernel(
        _route_body,
        out_type=(
            jax.ShapeDtypeStruct((n_rows * cap,), jnp.int32),
            jax.ShapeDtypeStruct((n_rows * cap,), jnp.float32),
            jax.ShapeDtypeStruct((n_rows * cap, dim), jnp.float32),
        ),
        mesh=mesh,
        scratch_types=[
            pltpu.VMEM((slen,), jnp.float32),
            pltpu.VMEM((slen,), jnp.int32),
            pltpu.VMEM((cap,), jnp.int32),
            pltpu.VMEM((cap // 2,), jnp.int32),
            pltpu.VMEM((cap // 2,), jnp.int32),
            pltpu.VMEM((cap,), jnp.float32),
            pltpu.VMEM((cap // 2,), jnp.float32),
            pltpu.VMEM((cap // 2,), jnp.float32),
            pltpu.VMEM((n_tok,), jnp.float32),
            pltpu.VMEM_SHARED((n_tok,), jnp.float32),
            pltpu.VMEM((32, dim), jnp.float32),
            pltpu.VMEM((32, dim), jnp.float32),
            pltpu.SemaphoreType.DMA,
            pltpu.SemaphoreType.DMA,
        ],
        compiler_params=pltpu.CompilerParams(needs_layout_passes=False),
    )


def _scores_body(ts_ref, hsu_ref, gw_ref, o_ref):
    dim = ts_ref.shape[-1]
    b = pl.program_id(0)
    ts = ts_ref[pl.ds(b, 1), :]
    hsu = hsu_ref[0]
    dn = (((0,), (1,)), ((), ()))
    lt = lax.dot_general(gw_ref[:dim, :], ts, dn,
                         preferred_element_type=jnp.float32)
    lx = lax.dot_general(gw_ref[dim:, :], hsu, dn,
                         preferred_element_type=jnp.float32)
    o_ref[...] = jax.nn.sigmoid(lt + lx)


def _shared_ffn_body(x_ref, w1_ref, w2_ref, o_ref):
    x = x_ref[...].astype(jnp.bfloat16)
    w1 = w1_ref[...].astype(jnp.bfloat16)
    h = jnp.dot(x, w1, preferred_element_type=jnp.float32)
    inner = h.shape[-1] // 2
    a = h[:, :inner]
    b = h[:, inner:]
    g = (a * (b * jax.nn.sigmoid(b))).astype(jnp.bfloat16)
    w2 = w2_ref[...].astype(jnp.bfloat16)
    o_ref[...] = jnp.dot(g, w2, preferred_element_type=jnp.float32)


def _expert_ffn_body(x_ref, w1_ref, w2_ref, gate_ref, o_ref):
    x = x_ref[0].astype(jnp.bfloat16)
    w1 = w1_ref[0].astype(jnp.bfloat16)
    h = jnp.dot(x, w1, preferred_element_type=jnp.float32)
    inner = h.shape[-1] // 2
    a = h[:, :inner]
    b = h[:, inner:]
    g = (a * (b * jax.nn.sigmoid(b))).astype(jnp.bfloat16)
    w2 = w2_ref[0].astype(jnp.bfloat16)
    y = jnp.dot(g, w2, preferred_element_type=jnp.float32)
    o_ref[0] = y * gate_ref[0, 0][:, None]


def kernel(hidden_states, hidden_states_unmodulated, timestep, gate_w, W1, W2, sw1, sw2):
    bs, slen, dim = hidden_states.shape
    E = gate_w.shape[1]
    inner = W2.shape[1]
    cap = max(1, math.ceil(slen / E))
    n_tok = bs * slen
    tpe = bs * cap

    BT = 512
    nt = slen // BT
    scores_t = pl.pallas_call(
        _scores_body,
        grid=(bs, nt),
        in_specs=[
            pl.BlockSpec((bs, dim), lambda b, t: (0, 0)),
            pl.BlockSpec((1, BT, dim), lambda b, t: (b, t, 0)),
            pl.BlockSpec((2 * dim, E), lambda b, t: (0, 0)),
        ],
        out_specs=pl.BlockSpec((E, BT), lambda b, t: (0, b * nt + t)),
        out_shape=jax.ShapeDtypeStruct((E, n_tok), jnp.float32),
    )(timestep, hidden_states_unmodulated, gate_w)

    aff_rows = scores_t.reshape(E * bs * slen)
    x_flat = hidden_states.reshape(n_tok, dim)
    gti, gflat, ri_flat = _make_route(E * bs, slen, cap, n_tok, dim)(
        aff_rows, x_flat)

    BT2 = 512
    shared_out = pl.pallas_call(
        _shared_ffn_body,
        grid=(n_tok // BT2,),
        in_specs=[
            pl.BlockSpec((BT2, dim), lambda i: (i, 0)),
            pl.BlockSpec((dim, 2 * inner), lambda i: (0, 0)),
            pl.BlockSpec((inner, dim), lambda i: (0, 0)),
        ],
        out_specs=pl.BlockSpec((BT2, dim), lambda i: (i, 0)),
        out_shape=jax.ShapeDtypeStruct((n_tok, dim), jnp.float32),
    )(x_flat, sw1, sw2)

    ri = ri_flat.reshape(E, tpe, dim)
    gmat = gflat.reshape(E, 1, tpe)
    routed = pl.pallas_call(
        _expert_ffn_body,
        grid=(E,),
        in_specs=[
            pl.BlockSpec((1, tpe, dim), lambda e: (e, 0, 0)),
            pl.BlockSpec((1, dim, 2 * inner), lambda e: (e, 0, 0)),
            pl.BlockSpec((1, inner, dim), lambda e: (e, 0, 0)),
            pl.BlockSpec((1, 1, tpe), lambda e: (e, 0, 0)),
        ],
        out_specs=pl.BlockSpec((1, tpe, dim), lambda e: (e, 0, 0)),
        out_shape=jax.ShapeDtypeStruct((E, tpe, dim), jnp.float32),
    )(ri, W1, W2, gmat)

    out = shared_out.at[gti].add(routed.reshape(E * tpe, dim))
    return out.reshape(bs, slen, dim)

# --- scband reference (transcript-rebuilt; emitter-appended) ---
"""Pipeline reference for scband-nucleus-mo-elayer-45792941310319 (READ-ONLY COPY).

The authoritative reference and input builder live on the scoring server;
editing this copy changes nothing except your own understanding.
"""

import jax, jax.numpy as jnp
import numpy as np
import math

BS, SLEN, DIM = 2, 2048, 1024
INNER = 1024
E = 8
CAP_FACTOR = 1.0
ROUTE_SCALE = 1.0
USE_SIGMOID = True


def setup_inputs(seed: int = 0) -> dict:
    key = jax.random.key(seed)
    ks = jax.random.split(key, 8)
    hidden_states = jax.random.normal(ks[0], (BS, SLEN, DIM), dtype=jnp.float32)
    hidden_states_unmodulated = jax.random.normal(ks[1], (BS, SLEN, DIM), dtype=jnp.float32)
    timestep = jax.random.normal(ks[2], (BS, DIM), dtype=jnp.float32)
    gate_w = jax.random.normal(ks[3], (2 * DIM, E), dtype=jnp.float32) / math.sqrt(2 * DIM)
    W1 = jax.random.normal(ks[4], (E, DIM, 2 * INNER), dtype=jnp.float32) / math.sqrt(DIM)
    W2 = jax.random.normal(ks[5], (E, INNER, DIM), dtype=jnp.float32) / math.sqrt(INNER)
    sw1 = jax.random.normal(ks[6], (DIM, 2 * INNER), dtype=jnp.float32) / math.sqrt(DIM)
    sw2 = jax.random.normal(ks[7], (INNER, DIM), dtype=jnp.float32) / math.sqrt(INNER)
    return {
        "hidden_states": hidden_states,
        "hidden_states_unmodulated": hidden_states_unmodulated,
        "timestep": timestep,
        "gate_w": gate_w,
        "W1": W1,
        "W2": W2,
        "sw1": sw1,
        "sw2": sw2,
    }


def _swiglu_ff(x, w1, w2):
    h = x @ w1
    a, b = jnp.split(h, 2, axis=-1)
    return (a * jax.nn.silu(b)) @ w2


def reference(hidden_states, hidden_states_unmodulated, timestep, gate_w, W1, W2, sw1, sw2):
    bs, slen, dim = hidden_states.shape
    # Router input: timestep conditioning concatenated with unmodulated states
    timestep_expanded = jnp.broadcast_to(timestep[:, None, :], (bs, slen, dim))
    router_input = jnp.concatenate([timestep_expanded, hidden_states_unmodulated], axis=-1)
    logits = router_input @ gate_w  # [bs, slen, E]
    if USE_SIGMOID:
        scores = jax.nn.sigmoid(logits.astype(jnp.float32)).astype(logits.dtype)
    else:
        scores = jax.nn.softmax(logits.astype(jnp.float32), axis=-1).astype(logits.dtype)
    affinity = jnp.transpose(scores, (0, 2, 1))  # [bs, E, slen]
    capacity = max(1, math.ceil(CAP_FACTOR * slen / E))
    gating, top_indices = jax.lax.top_k(affinity, capacity)  # [bs, E, cap]
    batch_offsets = (jnp.arange(bs, dtype=jnp.int64 if jax.config.jax_enable_x64 else jnp.int32) * slen).reshape(bs, 1, 1)
    global_token_indices = jnp.transpose(batch_offsets + top_indices, (1, 0, 2)).reshape(-1)  # [E*bs*cap]
    gating_flat = jnp.transpose(gating, (1, 0, 2)).reshape(-1)
    token_score_sums = jnp.zeros(bs * slen, dtype=gating_flat.dtype).at[global_token_indices].add(gating_flat)
    gating_flat = gating_flat / (token_score_sums[global_token_indices] + 1e-12)
    gating_flat = gating_flat * ROUTE_SCALE
    x_flat = hidden_states.reshape(bs * slen, dim)
    routed_input = x_flat[global_token_indices]  # [E*bs*cap, dim]
    tokens_per_expert = bs * capacity
    ri = routed_input.reshape(E, tokens_per_expert, dim)
    h = jnp.einsum('etd,edf->etf', ri, W1)
    a, b = jnp.split(h, 2, axis=-1)
    g = a * jax.nn.silu(b)
    routed_output = jnp.einsum('eti,eid->etd', g, W2).reshape(E * tokens_per_expert, dim)
    routed_output = (routed_output.astype(jnp.float32) * gating_flat[:, None]).astype(hidden_states.dtype)
    out = _swiglu_ff(hidden_states.reshape(bs * slen, dim), sw1, sw2)
    out = out.at[global_token_indices].add(routed_output)
    return out.reshape(bs, slen, dim)

if __name__ == "__main__":
    import jax
    _d = setup_inputs()
    print(jax.jit(kernel)(*tuple(_d.values())))

</pallas_src>

<mosaic_0001>
#map = affine_map<(d0, d1) -> (0)>
#map1 = affine_map<(d0, d1) -> (0, 0)>
module attributes {stable_mosaic.version = 14 : i64} {
  func.func @_route_body(%arg0: i32, %arg1: i32, %arg2: memref<32768xf32, #tpu.memory_space<hbm>>, %arg3: memref<4096x1024xf32, #tpu.memory_space<hbm>>, %arg4: memref<4096xi32, #tpu.memory_space<hbm>>, %arg5: memref<4096xf32, #tpu.memory_space<hbm>>, %arg6: memref<4096x1024xf32, #tpu.memory_space<hbm>>, %arg7: memref<2048xf32, #tpu.memory_space<vmem>>, %arg8: memref<2048xi32, #tpu.memory_space<vmem>>, %arg9: memref<256xi32, #tpu.memory_space<vmem>>, %arg10: memref<128xi32, #tpu.memory_space<vmem>>, %arg11: memref<128xi32, #tpu.memory_space<vmem>>, %arg12: memref<256xf32, #tpu.memory_space<vmem>>, %arg13: memref<128xf32, #tpu.memory_space<vmem>>, %arg14: memref<128xf32, #tpu.memory_space<vmem>>, %arg15: memref<4096xf32, #tpu.memory_space<vmem>>, %arg16: memref<4096xf32, #tpu.memory_space<vmem_shared>>, %arg17: memref<32x1024xf32, #tpu.memory_space<vmem>>, %arg18: memref<32x1024xf32, #tpu.memory_space<vmem>>, %arg19: memref<!tpu.dma_semaphore, #tpu.memory_space<semaphore_mem>>, %arg20: memref<!tpu.dma_semaphore, #tpu.memory_space<semaphore_mem>>) attributes {dimension_semantics = [#tpu.dimension_semantics<core_parallel>, #tpu.dimension_semantics<subcore_parallel>], iteration_bounds = array<i64: 2, 16>, scalar_prefetch = 0 : i64, scratch_operands = 14 : i64, tpu.core_type = #tpu.core_type<sc_vector_subcore>, window_params = [{transform_indices = #map}, {transform_indices = #map1}, {transform_indices = #map}, {transform_indices = #map}, {transform_indices = #map1}]} {
    %iota3A = tpu.iota {dimensions = array<i32: 0>} : vector<16xi32>
    %broadcast_in_dim3A = arith.constant 0.000000e+00 : f32
    %broadcast_in_dim3A_0 = vector.broadcast %broadcast_in_dim3A : f32 to vector<16xf32>
    %swap3A = arith.constant 0 : index
    %swap3A_1 = tpu.vector_load %arg12[%swap3A] {strides = array<i32>} : memref<256xf32, #tpu.memory_space<vmem>>, vector<16xf32>,
    tpu.vector_store %arg12[%swap3A], %broadcast_in_dim3A_0 {strides = array<i32>} : memref<256xf32, #tpu.memory_space<vmem>>, vector<16xf32>,
    %broadcast_in_dim3A_2 = arith.constant 0.000000e+00 : f32
    %broadcast_in_dim3A_3 = vector.broadcast %broadcast_in_dim3A_2 : f32 to vector<16xf32>
    %swap3A_4 = arith.constant 16 : index
    %swap3A_5 = tpu.vector_load %arg12[%swap3A_4] {strides = array<i32>} : memref<256xf32, #tpu.memory_space<vmem>>, vector<16xf32>,
    tpu.vector_store %arg12[%swap3A_4], %broadcast_in_dim3A_3 {strides = array<i32>} : memref<256xf32, #tpu.memory_space<vmem>>, vector<16xf32>,
    %broadcast_in_dim3A_6 = arith.constant 0.000000e+00 : f32
    %broadcast_in_dim3A_7 = vector.broadcast %broadcast_in_dim3A_6 : f32 to vector<16xf32>
    %swap3A_8 = arith.constant 32 : index
    %swap3A_9 = tpu.vector_load %arg12[%swap3A_8] {strides = array<i32>} : memref<256xf32, #tpu.memory_space<vmem>>, vector<16xf32>,
    tpu.vector_store %arg12[%swap3A_8], %broadcast_in_dim3A_7 {strides = array<i32>} : memref<256xf32, #tpu.memory_space<vmem>>, vector<16xf32>,
    %broadcast_in_dim3A_10 = arith.constant 0.000000e+00 : f32
    %broadcast_in_dim3A_11 = vector.broadcast %broadcast_in_dim3A_10 : f32 to vector<16xf32>
    %swap3A_12 = arith.constant 48 : index
    %swap3A_13 = tpu.vector_load %arg12[%swap3A_12] {strides = array<i32>} : memref<256xf32, #tpu.memory_space<vmem>>, vector<16xf32>,
    tpu.vector_store %arg12[%swap3A_12], %broadcast_in_dim3A_11 {strides = array<i32>} : memref<256xf32, #tpu.memory_space<vmem>>, vector<16xf32>,
    %broadcast_in_dim3A_14 = arith.constant 0.000000e+00 : f32
    %broadcast_in_dim3A_15 = vector.broadcast %broadcast_in_dim3A_14 : f32 to vector<16xf32>
    %swap3A_16 = arith.constant 64 : index
    %swap3A_17 = tpu.vector_load %arg12[%swap3A_16] {strides = array<i32>} : memref<256xf32, #tpu.memory_space<vmem>>, vector<16xf32>,
    tpu.vector_store %arg12[%swap3A_16], %broadcast_in_dim3A_15 {strides = array<i32>} : memref<256xf32, #tpu.memory_space<vmem>>, vector<16xf32>,
    %broadcast_in_dim3A_18 = arith.constant 0.000000e+00 : f32
    %broadcast_in_dim3A_19 = vector.broadcast %broadcast_in_dim3A_18 : f32 to vector<16xf32>
    %swap3A_20 = arith.constant 80 : index
    %swap3A_21 = tpu.vector_load %arg12[%swap3A_20] {strides = array<i32>} : memref<256xf32, #tpu.memory_space<vmem>>, vector<16xf32>,
    tpu.vector_store %arg12[%swap3A_20], %broadcast_in_dim3A_19 {strides = array<i32>} : memref<256xf32, #tpu.memory_space<vmem>>, vector<16xf32>,
    %broadcast_in_dim3A_22 = arith.constant 0.000000e+00 : f32
    %broadcast_in_dim3A_23 = vector.broadcast %broadcast_in_dim3A_22 : f32 to vector<16xf32>
    %swap3A_24 = arith.constant 96 : index
    %swap3A_25 = tpu.vector_load %arg12[%swap3A_24] {strides = array<i32>} : memref<256xf32, #tpu.memory_space<vmem>>, vector<16xf32>,
    tpu.vector_store %arg12[%swap3A_24], %broadcast_in_dim3A_23 {strides = array<i32>} : memref<256xf32, #tpu.memory_space<vmem>>, vector<16xf32>,
    %broadcast_in_dim3A_26 = arith.constant 0.000000e+00 : f32
    %broadcast_in_dim3A_27 = vector.broadcast %broadcast_in_dim3A_26 : f32 to vector<16xf32>
    %swap3A_28 = arith.constant 112 : index
    %swap3A_29 = tpu.vector_load %arg12[%swap3A_28] {strides = array<i32>} : memref<256xf32, #tpu.memory_space<vmem>>, vector<16xf32>,
    tpu.vector_store %arg12[%swap3A_28], %broadcast_in_dim3A_27 {strides = array<i32>} : memref<256xf32, #tpu.memory_space<vmem>>, vector<16xf32>,
    %broadcast_in_dim3A_30 = arith.constant 0.000000e+00 : f32
    %broadcast_in_dim3A_31 = vector.broadcast %broadcast_in_dim3A_30 : f32 to vector<16xf32>
    %swap3A_32 = arith.constant 128 : index
    %swap3A_33 = tpu.vector_load %arg12[%swap3A_32] {strides = array<i32>} : memref<256xf32, #tpu.memory_space<vmem>>, vector<16xf32>,
    tpu.vector_store %arg12[%swap3A_32], %broadcast_in_dim3A_31 {strides = array<i32>} : memref<256xf32, #tpu.memory_space<vmem>>, vector<16xf32>,
    %broadcast_in_dim3A_34 = arith.constant 0.000000e+00 : f32
    %broadcast_in_dim3A_35 = vector.broadcast %broadcast_in_dim3A_34 : f32 to vector<16xf32>
    %swap3A_36 = arith.constant 144 : index
    %swap3A_37 = tpu.vector_load %arg12[%swap3A_36] {strides = array<i32>} : memref<256xf32, #tpu.memory_space<vmem>>, vector<16xf32>,
    tpu.vector_store %arg12[%swap3A_36], %broadcast_in_dim3A_35 {strides = array<i32>} : memref<256xf32, #tpu.memory_space<vmem>>, vector<16xf32>,
    %broadcast_in_dim3A_38 = arith.constant 0.000000e+00 : f32
    %broadcast_in_dim3A_39 = vector.broadcast %broadcast_in_dim3A_38 : f32 to vector<16xf32>
    %swap3A_40 = arith.constant 160 : index
    %swap3A_41 = tpu.vector_load %arg12[%swap3A_40] {strides = array<i32>} : memref<256xf32, #tpu.memory_space<vmem>>, vector<16xf32>,
    tpu.vector_store %arg12[%swap3A_40], %broadcast_in_dim3A_39 {strides = array<i32>} : memref<256xf32, #tpu.memory_space<vmem>>, vector<16xf32>,
    %broadcast_in_dim3A_42 = arith.constant 0.000000e+00 : f32
    %broadcast_in_dim3A_43 = vector.broadcast %broadcast_in_dim3A_42 : f32 to vector<16xf32>
    %swap3A_44 = arith.constant 176 : index
    %swap3A_45 = tpu.vector_load %arg12[%swap3A_44] {strides = array<i32>} : memref<256xf32, #tpu.memory_space<vmem>>, vector<16xf32>,
    tpu.vector_store %arg12[%swap3A_44], %broadcast_in_dim3A_43 {strides = array<i32>} : memref<256xf32, #tpu.memory_space<vmem>>, vector<16xf32>,
    %broadcast_in_dim3A_46 = arith.constant 0.000000e+00 : f32
    %broadcast_in_dim3A_47 = vector.broadcast %broadcast_in_dim3A_46 : f32 to vector<16xf32>
    %swap3A_48 = arith.constant 192 : index
    %swap3A_49 = tpu.vector_load %arg12[%swap3A_48] {strides = array<i32>} : memref<256xf32, #tpu.memory_space<vmem>>, vector<16xf32>,
    tpu.vector_store %arg12[%swap3A_48], %broadcast_in_dim3A_47 {strides = array<i32>} : memref<256xf32, #tpu.memory_space<vmem>>, vector<16xf32>,
    %broadcast_in_dim3A_50 = arith.constant 0.000000e+00 : f32
    %broadcast_in_dim3A_51 = vector.broadcast %broadcast_in_dim3A_50 : f32 to vector<16xf32>
    %swap3A_52 = arith.constant 208 : index
    %swap3A_53 = tpu.vector_load %arg12[%swap3A_52] {strides = array<i32>} : memref<256xf32, #tpu.memory_space<vmem>>, vector<16xf32>,
    tpu.vector_store %arg12[%swap3A_52], %broadcast_in_dim3A_51 {strides = array<i32>} : memref<256xf32, #tpu.memory_space<vmem>>, vector<16xf32>,
    %broadcast_in_dim3A_54 = arith.constant 0.000000e+00 : f32
    %broadcast_in_dim3A_55 = vector.broadcast %broadcast_in_dim3A_54 : f32 to vector<16xf32>
    %swap3A_56 = arith.constant 224 : index
    %swap3A_57 = tpu.vector_load %arg12[%swap3A_56] {strides = array<i32>} : memref<256xf32, #tpu.memory_space<vmem>>, vector<16xf32>,
    tpu.vector_store %arg12[%swap3A_56], %broadcast_in_dim3A_55 {strides = array<i32>} : memref<256xf32, #tpu.memory_space<vmem>>, vector<16xf32>,
    %broadcast_in_dim3A_58 = arith.constant 0.000000e+00 : f32
    %broadcast_in_dim3A_59 = vector.broadcast %broadcast_in_dim3A_58 : f32 to vector<16xf32>
    %swap3A_60 = arith.constant 240 : index
    %swap3A_61 = tpu.vector_load %arg12[%swap3A_60] {strides = array<i32>} : memref<256xf32, #tpu.memory_space<vmem>>, vector<16xf32>,
    tpu.vector_store %arg12[%swap3A_60], %broadcast_in_dim3A_59 {strides = array<i32>} : memref<256xf32, #tpu.memory_space<vmem>>, vector<16xf32>,
    %mul3A = arith.constant 16 : i32
    %mul3A_62 = arith.muli %arg1, %mul3A : i32
    %mul3A_63 = arith.constant 16 : i32
    %mul3A_64 = arith.muli %mul3A_62, %mul3A_63 : i32
    "tpu.region"() ({
      %run_scoped3A = tpu.sem_alloc : memref<!tpu.dma_semaphore, #tpu.memory_space<semaphore_mem>>
      %dma_start3A = arith.constant 0 : i32
      %dma_start3A_79 = tpu.memref_slice %arg12[%dma_start3A] : memref<256xf32, #tpu.memory_space<vmem>> -> memref<256xf32, #tpu.memory_space<vmem>>
      %dma_start3A_80 = tpu.memref_slice %arg16[%mul3A_64] : memref<4096xf32, #tpu.memory_space<vmem_shared>> -> memref<256xf32, #tpu.memory_space<vmem_shared>>
      %dma_start3A_81 = tpu.memref_slice %arg16[%mul3A_64] : memref<4096xf32, #tpu.memory_space<vmem_shared>> -> memref<256xf32, #tpu.memory_space<vmem_shared>>
      %dma_start3A_82 = arith.constant 0 : i32
      %dma_start3A_83 = tpu.memref_slice %arg12[%dma_start3A_82] : memref<256xf32, #tpu.memory_space<vmem>> -> memref<256xf32, #tpu.memory_space<vmem>>
      tpu.enqueue_dma source(%dma_start3A_83 : memref<256xf32, #tpu.memory_space<vmem>>) target(%dma_start3A_81 : memref<256xf32, #tpu.memory_space<vmem_shared>>) target_semaphore(%run_scoped3A : memref<!tpu.dma_semaphore, #tpu.memory_space<semaphore_mem>>)
      %dma_wait3A = arith.constant 0 : i32
      %dma_wait3A_84 = tpu.memref_slice %arg12[%dma_wait3A] : memref<256xf32, #tpu.memory_space<vmem>> -> memref<256xf32, #tpu.memory_space<vmem>>
      %dma_wait3A_85 = tpu.memref_slice %arg16[%mul3A_64] : memref<4096xf32, #tpu.memory_space<vmem_shared>> -> memref<256xf32, #tpu.memory_space<vmem_shared>>
      %dma_wait3A_86 = tpu.memref_slice %arg16[%mul3A_64] : memref<4096xf32, #tpu.memory_space<vmem_shared>> -> memref<256xf32, #tpu.memory_space<vmem_shared>>
      %dma_wait3A_87 = arith.constant 0 : i32
      %dma_wait3A_88 = tpu.memref_slice %arg12[%dma_wait3A_87] : memref<256xf32, #tpu.memory_space<vmem>> -> memref<256xf32, #tpu.memory_space<vmem>>
      tpu.wait_dma2 semaphore(%run_scoped3A : memref<!tpu.dma_semaphore, #tpu.memory_space<semaphore_mem>>) src(%dma_wait3A_88 : memref<256xf32, #tpu.memory_space<vmem>>) dst(%dma_wait3A_86 : memref<256xf32, #tpu.memory_space<vmem_shared>>)
      tpu.yield
    }) : () -> ()
    %barrier3A = arith.constant 0 : index
    tpu.barrier barrier_id(%barrier3A)
    %eq3A = arith.constant 0 : i32
    %eq3A_65 = arith.cmpi eq, %arg0, %eq3A : i32
    %convert_element_type3A = arith.extui %eq3A_65 : i1 to i32
    %cond3A = arith.constant 0 : i32
    %cond3A_66 = arith.cmpi ne, %convert_element_type3A, %cond3A : i32
    scf.if %cond3A_66 {
      %mul3A_79 = arith.constant 2048 : i32
      %mul3A_80 = arith.muli %arg1, %mul3A_79 : i32
      "tpu.region"() ({
        %run_scoped3A = tpu.sem_alloc : memref<!tpu.dma_semaphore, #tpu.memory_space<semaphore_mem>>
        %dma_start3A = tpu.memref_slice %arg2[%mul3A_80] : memref<32768xf32, #tpu.memory_space<hbm>> -> memref<2048xf32, #tpu.memory_space<hbm>>
        %dma_start3A_373 = tpu.memref_slice %arg2[%mul3A_80] : memref<32768xf32, #tpu.memory_space<hbm>> -> memref<2048xf32, #tpu.memory_space<hbm>>
        tpu.enqueue_dma source(%dma_start3A_373 : memref<2048xf32, #tpu.memory_space<hbm>>) target(%arg7 : memref<2048xf32, #tpu.memory_space<vmem>>) target_semaphore(%run_scoped3A : memref<!tpu.dma_semaphore, #tpu.memory_space<semaphore_mem>>)
        %dma_wait3A = tpu.memref_slice %arg2[%mul3A_80] : memref<32768xf32, #tpu.memory_space<hbm>> -> memref<2048xf32, #tpu.memory_space<hbm>>
        %dma_wait3A_374 = tpu.memref_slice %arg2[%mul3A_80] : memref<32768xf32, #tpu.memory_space<hbm>> -> memref<2048xf32, #tpu.memory_space<hbm>>
        tpu.wait_dma2 semaphore(%run_scoped3A : memref<!tpu.dma_semaphore, #tpu.memory_space<semaphore_mem>>) src(%dma_wait3A_374 : memref<2048xf32, #tpu.memory_space<hbm>>) dst(%arg7 : memref<2048xf32, #tpu.memory_space<vmem>>)
        tpu.yield
      }) : () -> ()
      %scan3A = arith.constant 0 : i32
      %scan3A_81 = arith.constant 1065353216 : i32
      %scan3A_82 = arith.constant 0 : i32
      %scan3A_83 = arith.constant 31 : i32
      %scan3A_84 = arith.addi %scan3A_82, %scan3A_83 : i32
      %scan3A_85 = arith.constant 1 : i32
      %scan3A_86:2 = scf.for %scan3A_373 = %scan3A_82 to %scan3A_84 step %scan3A_85 iter_args(%scan3A_374 = %scan3A, %scan3A_375 = %scan3A_81) -> (i32, i32)  : i32 {
        %add3A_376 = arith.addi %scan3A_374, %scan3A_375 : i32
        %add3A_377 = arith.constant 1 : i32
        %add3A_378 = arith.addi %add3A_376, %add3A_377 : i32
        %div3A = arith.constant 2 : i32
        %div3A_379 = arith.divsi %add3A_378, %div3A : i32
        %bitcast_convert_type3A_380 = arith.bitcast %div3A_379 : i32 to f32
        %broadcast_in_dim3A_381 = arith.constant 0 : i32
        %broadcast_in_dim3A_382 = vector.broadcast %broadcast_in_dim3A_381 : i32 to vector<16xi32>
        %scan3A_383 = arith.constant 0 : i32
        %scan3A_384 = arith.constant 128 : i32
        %scan3A_385 = arith.addi %scan3A_383, %scan3A_384 : i32
        %scan3A_386 = arith.constant 1 : i32
        %scan3A_387 = scf.for %scan3A_395 = %scan3A_383 to %scan3A_385 step %scan3A_386 iter_args(%scan3A_396 = %broadcast_in_dim3A_382) -> (vector<16xi32>)  : i32 {
          %mul3A_397 = arith.constant 16 : i32
          %mul3A_398 = arith.muli %scan3A_395, %mul3A_397 : i32
          %get3A_399 = arith.index_cast %mul3A_398 : i32 to index
          %get3A_400 = tpu.vector_load %arg7[%get3A_399] {strides = array<i32>} : memref<2048xf32, #tpu.memory_space<vmem>>, vector<16xf32>,
          %ge3A_401 = vector.broadcast %bitcast_convert_type3A_380 : f32 to vector<16xf32>
          %ge3A_402 = arith.cmpf oge, %get3A_400, %ge3A_401 : vector<16xf32>
          %jit3A = arith.constant 1 : i32
          %jit3A_403 = arith.constant 0 : i32
          %broadcast_in_dim3A_404 = vector.broadcast %jit3A : i32 to vector<16xi32>
          %broadcast_in_dim3A_405 = vector.broadcast %jit3A_403 : i32 to vector<16xi32>
          %select_n3A_406 = arith.select %ge3A_402, %broadcast_in_dim3A_404, %broadcast_in_dim3A_405 : vector<16xi1>, vector<16xi32>
          %add3A_407 = arith.addi %scan3A_396, %select_n3A_406 : vector<16xi32>
          scf.yield %add3A_407 : vector<16xi32>
        }
        %scan3A_388 = arith.constant 128 : i32
        %reduce_sum3A = arith.constant true
        %reduce_sum3A_389 = vector.broadcast %reduce_sum3A : i1 to vector<16xi1>
        %reduce_sum3A_390 = tpu.scan <sum>, %scan3A_387 masked %reduce_sum3A_389 : vector<16xi32>, vector<16xi1> -> vector<16xi32>
        %reduce_sum3A_391 = vector.extract %reduce_sum3A_390[15] : i32 from vector<16xi32>
        %ge3A = arith.constant 256 : i32
        %ge3A_392 = arith.cmpi sge, %reduce_sum3A_391, %ge3A : i32
        %select_n3A = arith.select %ge3A_392, %div3A_379, %scan3A_374 : i32
        %sub3A = arith.constant 1 : i32
        %sub3A_393 = arith.subi %div3A_379, %sub3A : i32
        %select_n3A_394 = arith.select %ge3A_392, %scan3A_375, %sub3A_393 : i32
        scf.yield %select_n3A, %select_n3A_394 : i32, i32
      }
      %scan3A_87 = arith.constant 31 : i32
      %bitcast_convert_type3A = arith.bitcast %scan3A_86#0 : i32 to f32
      %scan3A_88 = arith.constant 0 : i32
      %scan3A_89 = arith.constant 0 : i32
      %scan3A_90 = arith.constant 128 : i32
      %scan3A_91 = arith.addi %scan3A_89, %scan3A_90 : i32
      %scan3A_92 = arith.constant 1 : i32
      %scan3A_93 = scf.for %scan3A_373 = %scan3A_89 to %scan3A_91 step %scan3A_92 iter_args(%scan3A_374 = %scan3A_88) -> (i32)  : i32 {
        %mul3A_375 = arith.constant 16 : i32
        %mul3A_376 = arith.muli %scan3A_373, %mul3A_375 : i32
        %get3A_377 = arith.index_cast %mul3A_376 : i32 to index
        %get3A_378 = tpu.vector_load %arg7[%get3A_377] {strides = array<i32>} : memref<2048xf32, #tpu.memory_space<vmem>>, vector<16xf32>,
        %gt3A = vector.broadcast %bitcast_convert_type3A : f32 to vector<16xf32>
        %gt3A_379 = arith.cmpf ogt, %get3A_378, %gt3A : vector<16xf32>
        %convert_element_type3A_380 = arith.extui %gt3A_379 : vector<16xi1> to vector<16xi32>
        %broadcast_in_dim3A_381 = arith.constant true
        %broadcast_in_dim3A_382 = vector.broadcast %broadcast_in_dim3A_381 : i1 to vector<16xi1>
        %masked_cumsum3A = tpu.scan <sum>, %convert_element_type3A_380 masked %broadcast_in_dim3A_382 : vector<16xi32>, vector<16xi1> -> vector<16xi32>
        %add3A_383 = vector.broadcast %scan3A_374 : i32 to vector<16xi32>
        %add3A_384 = arith.addi %add3A_383, %masked_cumsum3A : vector<16xi32>
        %sub3A = arith.constant 1 : i32
        %sub3A_385 = vector.broadcast %sub3A : i32 to vector<16xi32>
        %sub3A_386 = arith.subi %add3A_384, %sub3A_385 : vector<16xi32>
        %mul3A_387 = arith.constant 16 : i32
        %mul3A_388 = arith.muli %scan3A_373, %mul3A_387 : i32
        %add3A_389 = vector.broadcast %mul3A_388 : i32 to vector<16xi32>
        %add3A_390 = arith.addi %add3A_389, %iota3A : vector<16xi32>
        tpu.vector_store_idx %arg8[%sub3A_386], %add3A_390 masked %gt3A_379 : memref<2048xi32, #tpu.memory_space<vmem>>[vector<16xi32>], vector<16xi32>, vector<16xi1>
        %reduce_sum3A = arith.constant true
        %reduce_sum3A_391 = vector.broadcast %reduce_sum3A : i1 to vector<16xi1>
        %reduce_sum3A_392 = tpu.scan <sum>, %convert_element_type3A_380 masked %reduce_sum3A_391 : vector<16xi32>, vector<16xi1> -> vector<16xi32>
        %reduce_sum3A_393 = vector.extract %reduce_sum3A_392[15] : i32 from vector<16xi32>
        %add3A_394 = arith.addi %scan3A_374, %reduce_sum3A_393 : i32
        scf.yield %add3A_394 : i32
      }
      %scan3A_94 = arith.constant 128 : i32
      %scan3A_95 = arith.constant 0 : i32
      %scan3A_96 = arith.constant 128 : i32
      %scan3A_97 = arith.addi %scan3A_95, %scan3A_96 : i32
      %scan3A_98 = arith.constant 1 : i32
      %scan3A_99 = scf.for %scan3A_373 = %scan3A_95 to %scan3A_97 step %scan3A_98 iter_args(%scan3A_374 = %scan3A_93) -> (i32)  : i32 {
        %mul3A_375 = arith.constant 16 : i32
        %mul3A_376 = arith.muli %scan3A_373, %mul3A_375 : i32
        %get3A_377 = arith.index_cast %mul3A_376 : i32 to index
        %get3A_378 = tpu.vector_load %arg7[%get3A_377] {strides = array<i32>} : memref<2048xf32, #tpu.memory_space<vmem>>, vector<16xf32>,
        %eq3A_379 = vector.broadcast %bitcast_convert_type3A : f32 to vector<16xf32>
        %eq3A_380 = arith.cmpf oeq, %get3A_378, %eq3A_379 : vector<16xf32>
        %convert_element_type3A_381 = arith.extui %eq3A_380 : vector<16xi1> to vector<16xi32>
        %broadcast_in_dim3A_382 = arith.constant true
        %broadcast_in_dim3A_383 = vector.broadcast %broadcast_in_dim3A_382 : i1 to vector<16xi1>
        %masked_cumsum3A = tpu.scan <sum>, %convert_element_type3A_381 masked %broadcast_in_dim3A_383 : vector<16xi32>, vector<16xi1> -> vector<16xi32>
        %add3A_384 = vector.broadcast %scan3A_374 : i32 to vector<16xi32>
        %add3A_385 = arith.addi %add3A_384, %masked_cumsum3A : vector<16xi32>
        %sub3A = arith.constant 1 : i32
        %sub3A_386 = vector.broadcast %sub3A : i32 to vector<16xi32>
        %sub3A_387 = arith.subi %add3A_385, %sub3A_386 : vector<16xi32>
        %mul3A_388 = arith.constant 16 : i32
        %mul3A_389 = arith.muli %scan3A_373, %mul3A_388 : i32
        %add3A_390 = vector.broadcast %mul3A_389 : i32 to vector<16xi32>
        %add3A_391 = arith.addi %add3A_390, %iota3A : vector<16xi32>
        tpu.vector_store_idx %arg8[%sub3A_387], %add3A_391 masked %eq3A_380 : memref<2048xi32, #tpu.memory_space<vmem>>[vector<16xi32>], vector<16xi32>, vector<16xi1>
        %reduce_sum3A = arith.constant true
        %reduce_sum3A_392 = vector.broadcast %reduce_sum3A : i1 to vector<16xi1>
        %reduce_sum3A_393 = tpu.scan <sum>, %convert_element_type3A_381 masked %reduce_sum3A_392 : vector<16xi32>, vector<16xi1> -> vector<16xi32>
        %reduce_sum3A_394 = vector.extract %reduce_sum3A_393[15] : i32 from vector<16xi32>
        %add3A_395 = arith.addi %scan3A_374, %reduce_sum3A_394 : i32
        scf.yield %add3A_395 : i32
      }
      %scan3A_100 = arith.constant 128 : i32
      %rem3A = arith.constant 2 : i32
      %rem3A_101 = arith.remsi %arg1, %rem3A : i32
      %mul3A_102 = arith.constant 2048 : i32
      %mul3A_103 = arith.muli %rem3A_101, %mul3A_102 : i32
      %get3A = arith.constant 0 : index
      %get3A_104 = tpu.vector_load %arg8[%get3A] {strides = array<i32>} : memref<2048xi32, #tpu.memory_space<vmem>>, vector<16xi32>,
      %gather3A = tpu.vector_load_idx %arg7[%get3A_104] : memref<2048xf32, #tpu.memory_space<vmem>>[vector<16xi32>], vector<16xf32>,
      %swap3A_105 = arith.constant 0 : index
      %swap3A_106 = tpu.vector_load %arg12[%swap3A_105] {strides = array<i32>} : memref<256xf32, #tpu.memory_space<vmem>>, vector<16xf32>,
      tpu.vector_store %arg12[%swap3A_105], %gather3A {strides = array<i32>} : memref<256xf32, #tpu.memory_space<vmem>>, vector<16xf32>,
      %add3A = vector.broadcast %mul3A_103 : i32 to vector<16xi32>
      %add3A_107 = arith.addi %get3A_104, %add3A : vector<16xi32>
      %swap3A_108 = arith.constant 0 : index
      %swap3A_109 = tpu.vector_load %arg9[%swap3A_108] {strides = array<i32>} : memref<256xi32, #tpu.memory_space<vmem>>, vector<16xi32>,
      tpu.vector_store %arg9[%swap3A_108], %add3A_107 {strides = array<i32>} : memref<256xi32, #tpu.memory_space<vmem>>, vector<16xi32>,
      %get3A_110 = arith.constant 16 : index
      %get3A_111 = tpu.vector_load %arg8[%get3A_110] {strides = array<i32>} : memref<2048xi32, #tpu.memory_space<vmem>>, vector<16xi32>,
      %gather3A_112 = tpu.vector_load_idx %arg7[%get3A_111] : memref<2048xf32, #tpu.memory_space<vmem>>[vector<16xi32>], vector<16xf32>,
      %swap3A_113 = arith.constant 16 : index
      %swap3A_114 = tpu.vector_load %arg12[%swap3A_113] {strides = array<i32>} : memref<256xf32, #tpu.memory_space<vmem>>, vector<16xf32>,
      tpu.vector_store %arg12[%swap3A_113], %gather3A_112 {strides = array<i32>} : memref<256xf32, #tpu.memory_space<vmem>>, vector<16xf32>,
      %add3A_115 = vector.broadcast %mul3A_103 : i32 to vector<16xi32>
      %add3A_116 = arith.addi %get3A_111, %add3A_115 : vector<16xi32>
      %swap3A_117 = arith.constant 16 : index
      %swap3A_118 = tpu.vector_load %arg9[%swap3A_117] {strides = array<i32>} : memref<256xi32, #tpu.memory_space<vmem>>, vector<16xi32>,
      tpu.vector_store %arg9[%swap3A_117], %add3A_116 {strides = array<i32>} : memref<256xi32, #tpu.memory_space<vmem>>, vector<16xi32>,
      %get3A_119 = arith.constant 32 : index
      %get3A_120 = tpu.vector_load %arg8[%get3A_119] {strides = array<i32>} : memref<2048xi32, #tpu.memory_space<vmem>>, vector<16xi32>,
      %gather3A_121 = tpu.vector_load_idx %arg7[%get3A_120] : memref<2048xf32, #tpu.memory_space<vmem>>[vector<16xi32>], vector<16xf32>,
      %swap3A_122 = arith.constant 32 : index
      %swap3A_123 = tpu.vector_load %arg12[%swap3A_122] {strides = array<i32>} : memref<256xf32, #tpu.memory_space<vmem>>, vector<16xf32>,
      tpu.vector_store %arg12[%swap3A_122], %gather3A_121 {strides = array<i32>} : memref<256xf32, #tpu.memory_space<vmem>>, vector<16xf32>,
      %add3A_124 = vector.broadcast %mul3A_103 : i32 to vector<16xi32>
      %add3A_125 = arith.addi %get3A_120, %add3A_124 : vector<16xi32>
      %swap3A_126 = arith.constant 32 : index
      %swap3A_127 = tpu.vector_load %arg9[%swap3A_126] {strides = array<i32>} : memref<256xi32, #tpu.memory_space<vmem>>, vector<16xi32>,
      tpu.vector_store %arg9[%swap3A_126], %add3A_125 {strides = array<i32>} : memref<256xi32, #tpu.memory_space<vmem>>, vector<16xi32>,
      %get3A_128 = arith.constant 48 : index
      %get3A_129 = tpu.vector_load %arg8[%get3A_128] {strides = array<i32>} : memref<2048xi32, #tpu.memory_space<vmem>>, vector<16xi32>,
      %gather3A_130 = tpu.vector_load_idx %arg7[%get3A_129] : memref<2048xf32, #tpu.memory_space<vmem>>[vector<16xi32>], vector<16xf32>,
      %swap3A_131 = arith.constant 48 : index
      %swap3A_132 = tpu.vector_load %arg12[%swap3A_131] {strides = array<i32>} : memref<256xf32, #tpu.memory_space<vmem>>, vector<16xf32>,
      tpu.vector_store %arg12[%swap3A_131], %gather3A_130 {strides = array<i32>} : memref<256xf32, #tpu.memory_space<vmem>>, vector<16xf32>,
      %add3A_133 = vector.broadcast %mul3A_103 : i32 to vector<16xi32>
      %add3A_134 = arith.addi %get3A_129, %add3A_133 : vector<16xi32>
      %swap3A_135 = arith.constant 48 : index
      %swap3A_136 = tpu.vector_load %arg9[%swap3A_135] {strides = array<i32>} : memref<256xi32, #tpu.memory_space<vmem>>, vector<16xi32>,
      tpu.vector_store %arg9[%swap3A_135], %add3A_134 {strides = array<i32>} : memref<256xi32, #tpu.memory_space<vmem>>, vector<16xi32>,
      %get3A_137 = arith.constant 64 : index
      %get3A_138 = tpu.vector_load %arg8[%get3A_137] {strides = array<i32>} : memref<2048xi32, #tpu.memory_space<vmem>>, vector<16xi32>,
      %gather3A_139 = tpu.vector_load_idx %arg7[%get3A_138] : memref<2048xf32, #tpu.memory_space<vmem>>[vector<16xi32>], vector<16xf32>,
      %swap3A_140 = arith.constant 64 : index
      %swap3A_141 = tpu.vector_load %arg12[%swap3A_140] {strides = array<i32>} : memref<256xf32, #tpu.memory_space<vmem>>, vector<16xf32>,
      tpu.vector_store %arg12[%swap3A_140], %gather3A_139 {strides = array<i32>} : memref<256xf32, #tpu.memory_space<vmem>>, vector<16xf32>,
      %add3A_142 = vector.broadcast %mul3A_103 : i32 to vector<16xi32>
      %add3A_143 = arith.addi %get3A_138, %add3A_142 : vector<16xi32>
      %swap3A_144 = arith.constant 64 : index
      %swap3A_145 = tpu.vector_load %arg9[%swap3A_144] {strides = array<i32>} : memref<256xi32, #tpu.memory_space<vmem>>, vector<16xi32>,
      tpu.vector_store %arg9[%swap3A_144], %add3A_143 {strides = array<i32>} : memref<256xi32, #tpu.memory_space<vmem>>, vector<16xi32>,
      %get3A_146 = arith.constant 80 : index
      %get3A_147 = tpu.vector_load %arg8[%get3A_146] {strides = array<i32>} : memref<2048xi32, #tpu.memory_space<vmem>>, vector<16xi32>,
      %gather3A_148 = tpu.vector_load_idx %arg7[%get3A_147] : memref<2048xf32, #tpu.memory_space<vmem>>[vector<16xi32>], vector<16xf32>,
      %swap3A_149 = arith.constant 80 : index
      %swap3A_150 = tpu.vector_load %arg12[%swap3A_149] {strides = array<i32>} : memref<256xf32, #tpu.memory_space<vmem>>, vector<16xf32>,
      tpu.vector_store %arg12[%swap3A_149], %gather3A_148 {strides = array<i32>} : memref<256xf32, #tpu.memory_space<vmem>>, vector<16xf32>,
      %add3A_151 = vector.broadcast %mul3A_103 : i32 to vector<16xi32>
      %add3A_152 = arith.addi %get3A_147, %add3A_151 : vector<16xi32>
      %swap3A_153 = arith.constant 80 : index
      %swap3A_154 = tpu.vector_load %arg9[%swap3A_153] {strides = array<i32>} : memref<256xi32, #tpu.memory_space<vmem>>, vector<16xi32>,
      tpu.vector_store %arg9[%swap3A_153], %add3A_152 {strides = array<i32>} : memref<256xi32, #tpu.memory_space<vmem>>, vector<16xi32>,
      %get3A_155 = arith.constant 96 : index
      %get3A_156 = tpu.vector_load %arg8[%get3A_155] {strides = array<i32>} : memref<2048xi32, #tpu.memory_space<vmem>>, vector<16xi32>,
      %gather3A_157 = tpu.vector_load_idx %arg7[%get3A_156] : memref<2048xf32, #tpu.memory_space<vmem>>[vector<16xi32>], vector<16xf32>,
      %swap3A_158 = arith.constant 96 : index
      %swap3A_159 = tpu.vector_load %arg12[%swap3A_158] {strides = array<i32>} : memref<256xf32, #tpu.memory_space<vmem>>, vector<16xf32>,
      tpu.vector_store %arg12[%swap3A_158], %gather3A_157 {strides = array<i32>} : memref<256xf32, #tpu.memory_space<vmem>>, vector<16xf32>,
      %add3A_160 = vector.broadcast %mul3A_103 : i32 to vector<16xi32>
      %add3A_161 = arith.addi %get3A_156, %add3A_160 : vector<16xi32>
      %swap3A_162 = arith.constant 96 : index
      %swap3A_163 = tpu.vector_load %arg9[%swap3A_162] {strides = array<i32>} : memref<256xi32, #tpu.memory_space<vmem>>, vector<16xi32>,
      tpu.vector_store %arg9[%swap3A_162], %add3A_161 {strides = array<i32>} : memref<256xi32, #tpu.memory_space<vmem>>, vector<16xi32>,
      %get3A_164 = arith.constant 112 : index
      %get3A_165 = tpu.vector_load %arg8[%get3A_164] {strides = array<i32>} : memref<2048xi32, #tpu.memory_space<vmem>>, vector<16xi32>,
      %gather3A_166 = tpu.vector_load_idx %arg7[%get3A_165] : memref<2048xf32, #tpu.memory_space<vmem>>[vector<16xi32>], vector<16xf32>,
      %swap3A_167 = arith.constant 112 : index
      %swap3A_168 = tpu.vector_load %arg12[%swap3A_167] {strides = array<i32>} : memref<256xf32, #tpu.memory_space<vmem>>, vector<16xf32>,
      tpu.vector_store %arg12[%swap3A_167], %gather3A_166 {strides = array<i32>} : memref<256xf32, #tpu.memory_space<vmem>>, vector<16xf32>,
      %add3A_169 = vector.broadcast %mul3A_103 : i32 to vector<16xi32>
      %add3A_170 = arith.addi %get3A_165, %add3A_169 : vector<16xi32>
      %swap3A_171 = arith.constant 112 : index
      %swap3A_172 = tpu.vector_load %arg9[%swap3A_171] {strides = array<i32>} : memref<256xi32, #tpu.memory_space<vmem>>, vector<16xi32>,
      tpu.vector_store %arg9[%swap3A_171], %add3A_170 {strides = array<i32>} : memref<256xi32, #tpu.memory_space<vmem>>, vector<16xi32>,
      %get3A_173 = arith.constant 128 : index
      %get3A_174 = tpu.vector_load %arg8[%get3A_173] {strides = array<i32>} : memref<2048xi32, #tpu.memory_space<vmem>>, vector<16xi32>,
      %gather3A_175 = tpu.vector_load_idx %arg7[%get3A_174] : memref<2048xf32, #tpu.memory_space<vmem>>[vector<16xi32>], vector<16xf32>,
      %swap3A_176 = arith.constant 128 : index
      %swap3A_177 = tpu.vector_load %arg12[%swap3A_176] {strides = array<i32>} : memref<256xf32, #tpu.memory_space<vmem>>, vector<16xf32>,
      tpu.vector_store %arg12[%swap3A_176], %gather3A_175 {strides = array<i32>} : memref<256xf32, #tpu.memory_space<vmem>>, vector<16xf32>,
      %add3A_178 = vector.broadcast %mul3A_103 : i32 to vector<16xi32>
      %add3A_179 = arith.addi %get3A_174, %add3A_178 : vector<16xi32>
      %swap3A_180 = arith.constant 128 : index
      %swap3A_181 = tpu.vector_load %arg9[%swap3A_180] {strides = array<i32>} : memref<256xi32, #tpu.memory_space<vmem>>, vector<16xi32>,
      tpu.vector_store %arg9[%swap3A_180], %add3A_179 {strides = array<i32>} : memref<256xi32, #tpu.memory_space<vmem>>, vector<16xi32>,
      %get3A_182 = arith.constant 144 : index
      %get3A_183 = tpu.vector_load %arg8[%get3A_182] {strides = array<i32>} : memref<2048xi32, #tpu.memory_space<vmem>>, vector<16xi32>,
      %gather3A_184 = tpu.vector_load_idx %arg7[%get3A_183] : memref<2048xf32, #tpu.memory_space<vmem>>[vector<16xi32>], vector<16xf32>,
      %swap3A_185 = arith.constant 144 : index
      %swap3A_186 = tpu.vector_load %arg12[%swap3A_185] {strides = array<i32>} : memref<256xf32, #tpu.memory_space<vmem>>, vector<16xf32>,
      tpu.vector_store %arg12[%swap3A_185], %gather3A_184 {strides = array<i32>} : memref<256xf32, #tpu.memory_space<vmem>>, vector<16xf32>,
      %add3A_187 = vector.broadcast %mul3A_103 : i32 to vector<16xi32>
      %add3A_188 = arith.addi %get3A_183, %add3A_187 : vector<16xi32>
      %swap3A_189 = arith.constant 144 : index
      %swap3A_190 = tpu.vector_load %arg9[%swap3A_189] {strides = array<i32>} : memref<256xi32, #tpu.memory_space<vmem>>, vector<16xi32>,
      tpu.vector_store %arg9[%swap3A_189], %add3A_188 {strides = array<i32>} : memref<256xi32, #tpu.memory_space<vmem>>, vector<16xi32>,
      %get3A_191 = arith.constant 160 : index
      %get3A_192 = tpu.vector_load %arg8[%get3A_191] {strides = array<i32>} : memref<2048xi32, #tpu.memory_space<vmem>>, vector<16xi32>,
      %gather3A_193 = tpu.vector_load_idx %arg7[%get3A_192] : memref<2048xf32, #tpu.memory_space<vmem>>[vector<16xi32>], vector<16xf32>,
      %swap3A_194 = arith.constant 160 : index
      %swap3A_195 = tpu.vector_load %arg12[%swap3A_194] {strides = array<i32>} : memref<256xf32, #tpu.memory_space<vmem>>, vector<16xf32>,
      tpu.vector_store %arg12[%swap3A_194], %gather3A_193 {strides = array<i32>} : memref<256xf32, #tpu.memory_space<vmem>>, vector<16xf32>,
      %add3A_196 = vector.broadcast %mul3A_103 : i32 to vector<16xi32>
      %add3A_197 = arith.addi %get3A_192, %add3A_196 : vector<16xi32>
      %swap3A_198 = arith.constant 160 : index
      %swap3A_199 = tpu.vector_load %arg9[%swap3A_198] {strides = array<i32>} : memref<256xi32, #tpu.memory_space<vmem>>, vector<16xi32>,
      tpu.vector_store %arg9[%swap3A_198], %add3A_197 {strides = array<i32>} : memref<256xi32, #tpu.memory_space<vmem>>, vector<16xi32>,
      %get3A_200 = arith.constant 176 : index
      %get3A_201 = tpu.vector_load %arg8[%get3A_200] {strides = array<i32>} : memref<2048xi32, #tpu.memory_space<vmem>>, vector<16xi32>,
      %gather3A_202 = tpu.vector_load_idx %arg7[%get3A_201] : memref<2048xf32, #tpu.memory_space<vmem>>[vector<16xi32>], vector<16xf32>,
      %swap3A_203 = arith.constant 176 : index
      %swap3A_204 = tpu.vector_load %arg12[%swap3A_203] {strides = array<i32>} : memref<256xf32, #tpu.memory_space<vmem>>, vector<16xf32>,
      tpu.vector_store %arg12[%swap3A_203], %gather3A_202 {strides = array<i32>} : memref<256xf32, #tpu.memory_space<vmem>>, vector<16xf32>,
      %add3A_205 = vector.broadcast %mul3A_103 : i32 to vector<16xi32>
      %add3A_206 = arith.addi %get3A_201, %add3A_205 : vector<16xi32>
      %swap3A_207 = arith.constant 176 : index
      %swap3A_208 = tpu.vector_load %arg9[%swap3A_207] {strides = array<i32>} : memref<256xi32, #tpu.memory_space<vmem>>, vector<16xi32>,
      tpu.vector_store %arg9[%swap3A_207], %add3A_206 {strides = array<i32>} : memref<256xi32, #tpu.memory_space<vmem>>, vector<16xi32>,
      %get3A_209 = arith.constant 192 : index
      %get3A_210 = tpu.vector_load %arg8[%get3A_209] {strides = array<i32>} : memref<2048xi32, #tpu.memory_space<vmem>>, vector<16xi32>,
      %gather3A_211 = tpu.vector_load_idx %arg7[%get3A_210] : memref<2048xf32, #tpu.memory_space<vmem>>[vector<16xi32>], vector<16xf32>,
      %swap3A_212 = arith.constant 192 : index
      %swap3A_213 = tpu.vector_load %arg12[%swap3A_212] {strides = array<i32>} : memref<256xf32, #tpu.memory_space<vmem>>, vector<16xf32>,
      tpu.vector_store %arg12[%swap3A_212], %gather3A_211 {strides = array<i32>} : memref<256xf32, #tpu.memory_space<vmem>>, vector<16xf32>,
      %add3A_214 = vector.broadcast %mul3A_103 : i32 to vector<16xi32>
      %add3A_215 = arith.addi %get3A_210, %add3A_214 : vector<16xi32>
      %swap3A_216 = arith.constant 192 : index
      %swap3A_217 = tpu.vector_load %arg9[%swap3A_216] {strides = array<i32>} : memref<256xi32, #tpu.memory_space<vmem>>, vector<16xi32>,
      tpu.vector_store %arg9[%swap3A_216], %add3A_215 {strides = array<i32>} : memref<256xi32, #tpu.memory_space<vmem>>, vector<16xi32>,
      %get3A_218 = arith.constant 208 : index
      %get3A_219 = tpu.vector_load %arg8[%get3A_218] {strides = array<i32>} : memref<2048xi32, #tpu.memory_space<vmem>>, vector<16xi32>,
      %gather3A_220 = tpu.vector_load_idx %arg7[%get3A_219] : memref<2048xf32, #tpu.memory_space<vmem>>[vector<16xi32>], vector<16xf32>,
      %swap3A_221 = arith.constant 208 : index
      %swap3A_222 = tpu.vector_load %arg12[%swap3A_221] {strides = array<i32>} : memref<256xf32, #tpu.memory_space<vmem>>, vector<16xf32>,
      tpu.vector_store %arg12[%swap3A_221], %gather3A_220 {strides = array<i32>} : memref<256xf32, #tpu.memory_space<vmem>>, vector<16xf32>,
      %add3A_223 = vector.broadcast %mul3A_103 : i32 to vector<16xi32>
      %add3A_224 = arith.addi %get3A_219, %add3A_223 : vector<16xi32>
      %swap3A_225 = arith.constant 208 : index
      %swap3A_226 = tpu.vector_load %arg9[%swap3A_225] {strides = array<i32>} : memref<256xi32, #tpu.memory_space<vmem>>, vector<16xi32>,
      tpu.vector_store %arg9[%swap3A_225], %add3A_224 {strides = array<i32>} : memref<256xi32, #tpu.memory_space<vmem>>, vector<16xi32>,
      %get3A_227 = arith.constant 224 : index
      %get3A_228 = tpu.vector_load %arg8[%get3A_227] {strides = array<i32>} : memref<2048xi32, #tpu.memory_space<vmem>>, vector<16xi32>,
      %gather3A_229 = tpu.vector_load_idx %arg7[%get3A_228] : memref<2048xf32, #tpu.memory_space<vmem>>[vector<16xi32>], vector<16xf32>,
      %swap3A_230 = arith.constant 224 : index
      %swap3A_231 = tpu.vector_load %arg12[%swap3A_230] {strides = array<i32>} : memref<256xf32, #tpu.memory_space<vmem>>, vector<16xf32>,
      tpu.vector_store %arg12[%swap3A_230], %gather3A_229 {strides = array<i32>} : memref<256xf32, #tpu.memory_space<vmem>>, vector<16xf32>,
      %add3A_232 = vector.broadcast %mul3A_103 : i32 to vector<16xi32>
      %add3A_233 = arith.addi %get3A_228, %add3A_232 : vector<16xi32>
      %swap3A_234 = arith.constant 224 : index
      %swap3A_235 = tpu.vector_load %arg9[%swap3A_234] {strides = array<i32>} : memref<256xi32, #tpu.memory_space<vmem>>, vector<16xi32>,
      tpu.vector_store %arg9[%swap3A_234], %add3A_233 {strides = array<i32>} : memref<256xi32, #tpu.memory_space<vmem>>, vector<16xi32>,
      %get3A_236 = arith.constant 240 : index
      %get3A_237 = tpu.vector_load %arg8[%get3A_236] {strides = array<i32>} : memref<2048xi32, #tpu.memory_space<vmem>>, vector<16xi32>,
      %gather3A_238 = tpu.vector_load_idx %arg7[%get3A_237] : memref<2048xf32, #tpu.memory_space<vmem>>[vector<16xi32>], vector<16xf32>,
      %swap3A_239 = arith.constant 240 : index
      %swap3A_240 = tpu.vector_load %arg12[%swap3A_239] {strides = array<i32>} : memref<256xf32, #tpu.memory_space<vmem>>, vector<16xf32>,
      tpu.vector_store %arg12[%swap3A_239], %gather3A_238 {strides = array<i32>} : memref<256xf32, #tpu.memory_space<vmem>>, vector<16xf32>,
      %add3A_241 = vector.broadcast %mul3A_103 : i32 to vector<16xi32>
      %add3A_242 = arith.addi %get3A_237, %add3A_241 : vector<16xi32>
      %swap3A_243 = arith.constant 240 : index
      %swap3A_244 = tpu.vector_load %arg9[%swap3A_243] {strides = array<i32>} : memref<256xi32, #tpu.memory_space<vmem>>, vector<16xi32>,
      tpu.vector_store %arg9[%swap3A_243], %add3A_242 {strides = array<i32>} : memref<256xi32, #tpu.memory_space<vmem>>, vector<16xi32>,
      %get3A_245 = arith.constant 0 : index
      %get3A_246 = tpu.vector_load %arg9[%get3A_245] {strides = array<i32>} : memref<256xi32, #tpu.memory_space<vmem>>, vector<16xi32>,
      %swap3A_247 = arith.constant 0 : index
      %swap3A_248 = tpu.vector_load %arg10[%swap3A_247] {strides = array<i32>} : memref<128xi32, #tpu.memory_space<vmem>>, vector<16xi32>,
      tpu.vector_store %arg10[%swap3A_247], %get3A_246 {strides = array<i32>} : memref<128xi32, #tpu.memory_space<vmem>>, vector<16xi32>,
      %get3A_249 = arith.constant 0 : index
      %get3A_250 = tpu.vector_load %arg12[%get3A_249] {strides = array<i32>} : memref<256xf32, #tpu.memory_space<vmem>>, vector<16xf32>,
      %swap3A_251 = arith.constant 0 : index
      %swap3A_252 = tpu.vector_load %arg13[%swap3A_251] {strides = array<i32>} : memref<128xf32, #tpu.memory_space<vmem>>, vector<16xf32>,
      tpu.vector_store %arg13[%swap3A_251], %get3A_250 {strides = array<i32>} : memref<128xf32, #tpu.memory_space<vmem>>, vector<16xf32>,
      %get3A_253 = arith.constant 128 : index
      %get3A_254 = tpu.vector_load %arg9[%get3A_253] {strides = array<i32>} : memref<256xi32, #tpu.memory_space<vmem>>, vector<16xi32>,
      %swap3A_255 = arith.constant 0 : index
      %swap3A_256 = tpu.vector_load %arg11[%swap3A_255] {strides = array<i32>} : memref<128xi32, #tpu.memory_space<vmem>>, vector<16xi32>,
      tpu.vector_store %arg11[%swap3A_255], %get3A_254 {strides = array<i32>} : memref<128xi32, #tpu.memory_space<vmem>>, vector<16xi32>,
      %get3A_257 = arith.constant 128 : index
      %get3A_258 = tpu.vector_load %arg12[%get3A_257] {strides = array<i32>} : memref<256xf32, #tpu.memory_space<vmem>>, vector<16xf32>,
      %swap3A_259 = arith.constant 0 : index
      %swap3A_260 = tpu.vector_load %arg14[%swap3A_259] {strides = array<i32>} : memref<128xf32, #tpu.memory_space<vmem>>, vector<16xf32>,
      tpu.vector_store %arg14[%swap3A_259], %get3A_258 {strides = array<i32>} : memref<128xf32, #tpu.memory_space<vmem>>, vector<16xf32>,
      %get3A_261 = arith.constant 16 : index
      %get3A_262 = tpu.vector_load %arg9[%get3A_261] {strides = array<i32>} : memref<256xi32, #tpu.memory_space<vmem>>, vector<16xi32>,
      %swap3A_263 = arith.constant 16 : index
      %swap3A_264 = tpu.vector_load %arg10[%swap3A_263] {strides = array<i32>} : memref<128xi32, #tpu.memory_space<vmem>>, vector<16xi32>,
      tpu.vector_store %arg10[%swap3A_263], %get3A_262 {strides = array<i32>} : memref<128xi32, #tpu.memory_space<vmem>>, vector<16xi32>,
      %get3A_265 = arith.constant 16 : index
      %get3A_266 = tpu.vector_load %arg12[%get3A_265] {strides = array<i32>} : memref<256xf32, #tpu.memory_space<vmem>>, vector<16xf32>,
      %swap3A_267 = arith.constant 16 : index
      %swap3A_268 = tpu.vector_load %arg13[%swap3A_267] {strides = array<i32>} : memref<128xf32, #tpu.memory_space<vmem>>, vector<16xf32>,
      tpu.vector_store %arg13[%swap3A_267], %get3A_266 {strides = array<i32>} : memref<128xf32, #tpu.memory_space<vmem>>, vector<16xf32>,
      %get3A_269 = arith.constant 144 : index
      %get3A_270 = tpu.vector_load %arg9[%get3A_269] {strides = array<i32>} : memref<256xi32, #tpu.memory_space<vmem>>, vector<16xi32>,
      %swap3A_271 = arith.constant 16 : index
      %swap3A_272 = tpu.vector_load %arg11[%swap3A_271] {strides = array<i32>} : memref<128xi32, #tpu.memory_space<vmem>>, vector<16xi32>,
      tpu.vector_store %arg11[%swap3A_271], %get3A_270 {strides = array<i32>} : memref<128xi32, #tpu.memory_space<vmem>>, vector<16xi32>,
      %get3A_273 = arith.constant 144 : index
      %get3A_274 = tpu.vector_load %arg12[%get3A_273] {strides = array<i32>} : memref<256xf32, #tpu.memory_space<vmem>>, vector<16xf32>,
      %swap3A_275 = arith.constant 16 : index
      %swap3A_276 = tpu.vector_load %arg14[%swap3A_275] {strides = array<i32>} : memref<128xf32, #tpu.memory_space<vmem>>, vector<16xf32>,
      tpu.vector_store %arg14[%swap3A_275], %get3A_274 {strides = array<i32>} : memref<128xf32, #tpu.memory_space<vmem>>, vector<16xf32>,
      %get3A_277 = arith.constant 32 : index
      %get3A_278 = tpu.vector_load %arg9[%get3A_277] {strides = array<i32>} : memref<256xi32, #tpu.memory_space<vmem>>, vector<16xi32>,
      %swap3A_279 = arith.constant 32 : index
      %swap3A_280 = tpu.vector_load %arg10[%swap3A_279] {strides = array<i32>} : memref<128xi32, #tpu.memory_space<vmem>>, vector<16xi32>,
      tpu.vector_store %arg10[%swap3A_279], %get3A_278 {strides = array<i32>} : memref<128xi32, #tpu.memory_space<vmem>>, vector<16xi32>,
      %get3A_281 = arith.constant 32 : index
      %get3A_282 = tpu.vector_load %arg12[%get3A_281] {strides = array<i32>} : memref<256xf32, #tpu.memory_space<vmem>>, vector<16xf32>,
      %swap3A_283 = arith.constant 32 : index
      %swap3A_284 = tpu.vector_load %arg13[%swap3A_283] {strides = array<i32>} : memref<128xf32, #tpu.memory_space<vmem>>, vector<16xf32>,
      tpu.vector_store %arg13[%swap3A_283], %get3A_282 {strides = array<i32>} : memref<128xf32, #tpu.memory_space<vmem>>, vector<16xf32>,
      %get3A_285 = arith.constant 160 : index
      %get3A_286 = tpu.vector_load %arg9[%get3A_285] {strides = array<i32>} : memref<256xi32, #tpu.memory_space<vmem>>, vector<16xi32>,
      %swap3A_287 = arith.constant 32 : index
      %swap3A_288 = tpu.vector_load %arg11[%swap3A_287] {strides = array<i32>} : memref<128xi32, #tpu.memory_space<vmem>>, vector<16xi32>,
      tpu.vector_store %arg11[%swap3A_287], %get3A_286 {strides = array<i32>} : memref<128xi32, #tpu.memory_space<vmem>>, vector<16xi32>,
      %get3A_289 = arith.constant 160 : index
      %get3A_290 = tpu.vector_load %arg12[%get3A_289] {strides = array<i32>} : memref<256xf32, #tpu.memory_space<vmem>>, vector<16xf32>,
      %swap3A_291 = arith.constant 32 : index
      %swap3A_292 = tpu.vector_load %arg14[%swap3A_291] {strides = array<i32>} : memref<128xf32, #tpu.memory_space<vmem>>, vector<16xf32>,
      tpu.vector_store %arg14[%swap3A_291], %get3A_290 {strides = array<i32>} : memref<128xf32, #tpu.memory_space<vmem>>, vector<16xf32>,
      %get3A_293 = arith.constant 48 : index
      %get3A_294 = tpu.vector_load %arg9[%get3A_293] {strides = array<i32>} : memref<256xi32, #tpu.memory_space<vmem>>, vector<16xi32>,
      %swap3A_295 = arith.constant 48 : index
      %swap3A_296 = tpu.vector_load %arg10[%swap3A_295] {strides = array<i32>} : memref<128xi32, #tpu.memory_space<vmem>>, vector<16xi32>,
      tpu.vector_store %arg10[%swap3A_295], %get3A_294 {strides = array<i32>} : memref<128xi32, #tpu.memory_space<vmem>>, vector<16xi32>,
      %get3A_297 = arith.constant 48 : index
      %get3A_298 = tpu.vector_load %arg12[%get3A_297] {strides = array<i32>} : memref<256xf32, #tpu.memory_space<vmem>>, vector<16xf32>,
      %swap3A_299 = arith.constant 48 : index
      %swap3A_300 = tpu.vector_load %arg13[%swap3A_299] {strides = array<i32>} : memref<128xf32, #tpu.memory_space<vmem>>, vector<16xf32>,
      tpu.vector_store %arg13[%swap3A_299], %get3A_298 {strides = array<i32>} : memref<128xf32, #tpu.memory_space<vmem>>, vector<16xf32>,
      %get3A_301 = arith.constant 176 : index
      %get3A_302 = tpu.vector_load %arg9[%get3A_301] {strides = array<i32>} : memref<256xi32, #tpu.memory_space<vmem>>, vector<16xi32>,
      %swap3A_303 = arith.constant 48 : index
      %swap3A_304 = tpu.vector_load %arg11[%swap3A_303] {strides = array<i32>} : memref<128xi32, #tpu.memory_space<vmem>>, vector<16xi32>,
      tpu.vector_store %arg11[%swap3A_303], %get3A_302 {strides = array<i32>} : memref<128xi32, #tpu.memory_space<vmem>>, vector<16xi32>,
      %get3A_305 = arith.constant 176 : index
      %get3A_306 = tpu.vector_load %arg12[%get3A_305] {strides = array<i32>} : memref<256xf32, #tpu.memory_space<vmem>>, vector<16xf32>,
      %swap3A_307 = arith.constant 48 : index
      %swap3A_308 = tpu.vector_load %arg14[%swap3A_307] {strides = array<i32>} : memref<128xf32, #tpu.memory_space<vmem>>, vector<16xf32>,
      tpu.vector_store %arg14[%swap3A_307], %get3A_306 {strides = array<i32>} : memref<128xf32, #tpu.memory_space<vmem>>, vector<16xf32>,
      %get3A_309 = arith.constant 64 : index
      %get3A_310 = tpu.vector_load %arg9[%get3A_309] {strides = array<i32>} : memref<256xi32, #tpu.memory_space<vmem>>, vector<16xi32>,
      %swap3A_311 = arith.constant 64 : index
      %swap3A_312 = tpu.vector_load %arg10[%swap3A_311] {strides = array<i32>} : memref<128xi32, #tpu.memory_space<vmem>>, vector<16xi32>,
      tpu.vector_store %arg10[%swap3A_311], %get3A_310 {strides = array<i32>} : memref<128xi32, #tpu.memory_space<vmem>>, vector<16xi32>,
      %get3A_313 = arith.constant 64 : index
      %get3A_314 = tpu.vector_load %arg12[%get3A_313] {strides = array<i32>} : memref<256xf32, #tpu.memory_space<vmem>>, vector<16xf32>,
      %swap3A_315 = arith.constant 64 : index
      %swap3A_316 = tpu.vector_load %arg13[%swap3A_315] {strides = array<i32>} : memref<128xf32, #tpu.memory_space<vmem>>, vector<16xf32>,
      tpu.vector_store %arg13[%swap3A_315], %get3A_314 {strides = array<i32>} : memref<128xf32, #tpu.memory_space<vmem>>, vector<16xf32>,
      %get3A_317 = arith.constant 192 : index
      %get3A_318 = tpu.vector_load %arg9[%get3A_317] {strides = array<i32>} : memref<256xi32, #tpu.memory_space<vmem>>, vector<16xi32>,
      %swap3A_319 = arith.constant 64 : index
      %swap3A_320 = tpu.vector_load %arg11[%swap3A_319] {strides = array<i32>} : memref<128xi32, #tpu.memory_space<vmem>>, vector<16xi32>,
      tpu.vector_store %arg11[%swap3A_319], %get3A_318 {strides = array<i32>} : memref<128xi32, #tpu.memory_space<vmem>>, vector<16xi32>,
      %get3A_321 = arith.constant 192 : index
      %get3A_322 = tpu.vector_load %arg12[%get3A_321] {strides = array<i32>} : memref<256xf32, #tpu.memory_space<vmem>>, vector<16xf32>,
      %swap3A_323 = arith.constant 64 : index
      %swap3A_324 = tpu.vector_load %arg14[%swap3A_323] {strides = array<i32>} : memref<128xf32, #tpu.memory_space<vmem>>, vector<16xf32>,
      tpu.vector_store %arg14[%swap3A_323], %get3A_322 {strides = array<i32>} : memref<128xf32, #tpu.memory_space<vmem>>, vector<16xf32>,
      %get3A_325 = arith.constant 80 : index
      %get3A_326 = tpu.vector_load %arg9[%get3A_325] {strides = array<i32>} : memref<256xi32, #tpu.memory_space<vmem>>, vector<16xi32>,
      %swap3A_327 = arith.constant 80 : index
      %swap3A_328 = tpu.vector_load %arg10[%swap3A_327] {strides = array<i32>} : memref<128xi32, #tpu.memory_space<vmem>>, vector<16xi32>,
      tpu.vector_store %arg10[%swap3A_327], %get3A_326 {strides = array<i32>} : memref<128xi32, #tpu.memory_space<vmem>>, vector<16xi32>,
      %get3A_329 = arith.constant 80 : index
      %get3A_330 = tpu.vector_load %arg12[%get3A_329] {strides = array<i32>} : memref<256xf32, #tpu.memory_space<vmem>>, vector<16xf32>,
      %swap3A_331 = arith.constant 80 : index
      %swap3A_332 = tpu.vector_load %arg13[%swap3A_331] {strides = array<i32>} : memref<128xf32, #tpu.memory_space<vmem>>, vector<16xf32>,
      tpu.vector_store %arg13[%swap3A_331], %get3A_330 {strides = array<i32>} : memref<128xf32, #tpu.memory_space<vmem>>, vector<16xf32>,
      %get3A_333 = arith.constant 208 : index
      %get3A_334 = tpu.vector_load %arg9[%get3A_333] {strides = array<i32>} : memref<256xi32, #tpu.memory_space<vmem>>, vector<16xi32>,
      %swap3A_335 = arith.constant 80 : index
      %swap3A_336 = tpu.vector_load %arg11[%swap3A_335] {strides = array<i32>} : memref<128xi32, #tpu.memory_space<vmem>>, vector<16xi32>,
      tpu.vector_store %arg11[%swap3A_335], %get3A_334 {strides = array<i32>} : memref<128xi32, #tpu.memory_space<vmem>>, vector<16xi32>,
      %get3A_337 = arith.constant 208 : index
      %get3A_338 = tpu.vector_load %arg12[%get3A_337] {strides = array<i32>} : memref<256xf32, #tpu.memory_space<vmem>>, vector<16xf32>,
      %swap3A_339 = arith.constant 80 : index
      %swap3A_340 = tpu.vector_load %arg14[%swap3A_339] {strides = array<i32>} : memref<128xf32, #tpu.memory_space<vmem>>, vector<16xf32>,
      tpu.vector_store %arg14[%swap3A_339], %get3A_338 {strides = array<i32>} : memref<128xf32, #tpu.memory_space<vmem>>, vector<16xf32>,
      %get3A_341 = arith.constant 96 : index
      %get3A_342 = tpu.vector_load %arg9[%get3A_341] {strides = array<i32>} : memref<256xi32, #tpu.memory_space<vmem>>, vector<16xi32>,
      %swap3A_343 = arith.constant 96 : index
      %swap3A_344 = tpu.vector_load %arg10[%swap3A_343] {strides = array<i32>} : memref<128xi32, #tpu.memory_space<vmem>>, vector<16xi32>,
      tpu.vector_store %arg10[%swap3A_343], %get3A_342 {strides = array<i32>} : memref<128xi32, #tpu.memory_space<vmem>>, vector<16xi32>,
      %get3A_345 = arith.constant 96 : index
      %get3A_346 = tpu.vector_load %arg12[%get3A_345] {strides = array<i32>} : memref<256xf32, #tpu.memory_space<vmem>>, vector<16xf32>,
      %swap3A_347 = arith.constant 96 : index
      %swap3A_348 = tpu.vector_load %arg13[%swap3A_347] {strides = array<i32>} : memref<128xf32, #tpu.memory_space<vmem>>, vector<16xf32>,
      tpu.vector_store %arg13[%swap3A_347], %get3A_346 {strides = array<i32>} : memref<128xf32, #tpu.memory_space<vmem>>, vector<16xf32>,
      %get3A_349 = arith.constant 224 : index
      %get3A_350 = tpu.vector_load %arg9[%get3A_349] {strides = array<i32>} : memref<256xi32, #tpu.memory_space<vmem>>, vector<16xi32>,
      %swap3A_351 = arith.constant 96 : index
      %swap3A_352 = tpu.vector_load %arg11[%swap3A_351] {strides = array<i32>} : memref<128xi32, #tpu.memory_space<vmem>>, vector<16xi32>,
      tpu.vector_store %arg11[%swap3A_351], %get3A_350 {strides = array<i32>} : memref<128xi32, #tpu.memory_space<vmem>>, vector<16xi32>,
      %get3A_353 = arith.constant 224 : index
      %get3A_354 = tpu.vector_load %arg12[%get3A_353] {strides = array<i32>} : memref<256xf32, #tpu.memory_space<vmem>>, vector<16xf32>,
      %swap3A_355 = arith.constant 96 : index
      %swap3A_356 = tpu.vector_load %arg14[%swap3A_355] {strides = array<i32>} : memref<128xf32, #tpu.memory_space<vmem>>, vector<16xf32>,
      tpu.vector_store %arg14[%swap3A_355], %get3A_354 {strides = array<i32>} : memref<128xf32, #tpu.memory_space<vmem>>, vector<16xf32>,
      %get3A_357 = arith.constant 112 : index
      %get3A_358 = tpu.vector_load %arg9[%get3A_357] {strides = array<i32>} : memref<256xi32, #tpu.memory_space<vmem>>, vector<16xi32>,
      %swap3A_359 = arith.constant 112 : index
      %swap3A_360 = tpu.vector_load %arg10[%swap3A_359] {strides = array<i32>} : memref<128xi32, #tpu.memory_space<vmem>>, vector<16xi32>,
      tpu.vector_store %arg10[%swap3A_359], %get3A_358 {strides = array<i32>} : memref<128xi32, #tpu.memory_space<vmem>>, vector<16xi32>,
      %get3A_361 = arith.constant 112 : index
      %get3A_362 = tpu.vector_load %arg12[%get3A_361] {strides = array<i32>} : memref<256xf32, #tpu.memory_space<vmem>>, vector<16xf32>,
      %swap3A_363 = arith.constant 112 : index
      %swap3A_364 = tpu.vector_load %arg13[%swap3A_363] {strides = array<i32>} : memref<128xf32, #tpu.memory_space<vmem>>, vector<16xf32>,
      tpu.vector_store %arg13[%swap3A_363], %get3A_362 {strides = array<i32>} : memref<128xf32, #tpu.memory_space<vmem>>, vector<16xf32>,
      %get3A_365 = arith.constant 240 : index
      %get3A_366 = tpu.vector_load %arg9[%get3A_365] {strides = array<i32>} : memref<256xi32, #tpu.memory_space<vmem>>, vector<16xi32>,
      %swap3A_367 = arith.constant 112 : index
      %swap3A_368 = tpu.vector_load %arg11[%swap3A_367] {strides = array<i32>} : memref<128xi32, #tpu.memory_space<vmem>>, vector<16xi32>,
      tpu.vector_store %arg11[%swap3A_367], %get3A_366 {strides = array<i32>} : memref<128xi32, #tpu.memory_space<vmem>>, vector<16xi32>,
      %get3A_369 = arith.constant 240 : index
      %get3A_370 = tpu.vector_load %arg12[%get3A_369] {strides = array<i32>} : memref<256xf32, #tpu.memory_space<vmem>>, vector<16xf32>,
      %swap3A_371 = arith.constant 112 : index
      %swap3A_372 = tpu.vector_load %arg14[%swap3A_371] {strides = array<i32>} : memref<128xf32, #tpu.memory_space<vmem>>, vector<16xf32>,
      tpu.vector_store %arg14[%swap3A_371], %get3A_370 {strides = array<i32>} : memref<128xf32, #tpu.memory_space<vmem>>, vector<16xf32>,
    } else {
    }
    %barrier3A_67 = arith.constant 0 : index
    tpu.barrier barrier_id(%barrier3A_67)
    %eq3A_68 = arith.constant 0 : i32
    %eq3A_69 = arith.cmpi eq, %arg0, %eq3A_68 : i32
    %convert_element_type3A_70 = arith.extui %eq3A_69 : i1 to i32
    %cond3A_71 = arith.constant 0 : i32
    %cond3A_72 = arith.cmpi ne, %convert_element_type3A_70, %cond3A_71 : i32
    scf.if %cond3A_72 {
      "tpu.region"() ({
        %run_scoped3A = tpu.sem_alloc : memref<!tpu.dma_semaphore, #tpu.memory_space<semaphore_mem>>
        %dma_start3A = arith.constant 0 : i32
        %dma_start3A_79 = tpu.memref_slice %arg16[%dma_start3A] : memref<4096xf32, #tpu.memory_space<vmem_shared>> -> memref<4096xf32, #tpu.memory_space<vmem_shared>>
        tpu.enqueue_indirect_dma source(%arg13 : memref<128xf32, #tpu.memory_space<vmem>>) target(%dma_start3A_79 : memref<4096xf32, #tpu.memory_space<vmem_shared>>) offsets(%arg10 : memref<128xi32, #tpu.memory_space<vmem>>) semaphore(%run_scoped3A : memref<!tpu.dma_semaphore, #tpu.memory_space<semaphore_mem>>) {add = true}
        %dma_wait3A = arith.constant 0 : i32
        %dma_wait3A_80 = tpu.memref_slice %arg16[%dma_wait3A] : memref<4096xf32, #tpu.memory_space<vmem_shared>> -> memref<4096xf32, #tpu.memory_space<vmem_shared>>
        tpu.wait_indirect_dma semaphore(%run_scoped3A : memref<!tpu.dma_semaphore, #tpu.memory_space<semaphore_mem>>) src(%arg13 : memref<128xf32, #tpu.memory_space<vmem>>) dst(%dma_wait3A_80 : memref<4096xf32, #tpu.memory_space<vmem_shared>>)
        tpu.yield
      }) : () -> ()
      "tpu.region"() ({
        %run_scoped3A = tpu.sem_alloc : memref<!tpu.dma_semaphore, #tpu.memory_space<semaphore_mem>>
        %dma_start3A = arith.constant 0 : i32
        %dma_start3A_79 = tpu.memref_slice %arg16[%dma_start3A] : memref<4096xf32, #tpu.memory_space<vmem_shared>> -> memref<4096xf32, #tpu.memory_space<vmem_shared>>
        tpu.enqueue_indirect_dma source(%arg14 : memref<128xf32, #tpu.memory_space<vmem>>) target(%dma_start3A_79 : memref<4096xf32, #tpu.memory_space<vmem_shared>>) offsets(%arg11 : memref<128xi32, #tpu.memory_space<vmem>>) semaphore(%run_scoped3A : memref<!tpu.dma_semaphore, #tpu.memory_space<semaphore_mem>>) {add = true}
        %dma_wait3A = arith.constant 0 : i32
        %dma_wait3A_80 = tpu.memref_slice %arg16[%dma_wait3A] : memref<4096xf32, #tpu.memory_space<vmem_shared>> -> memref<4096xf32, #tpu.memory_space<vmem_shared>>
        tpu.wait_indirect_dma semaphore(%run_scoped3A : memref<!tpu.dma_semaphore, #tpu.memory_space<semaphore_mem>>) src(%arg14 : memref<128xf32, #tpu.memory_space<vmem>>) dst(%dma_wait3A_80 : memref<4096xf32, #tpu.memory_space<vmem_shared>>)
        tpu.yield
      }) : () -> ()
    } else {
    }
    %barrier3A_73 = arith.constant 0 : index
    tpu.barrier barrier_id(%barrier3A_73)
    %eq3A_74 = arith.constant 0 : i32
    %eq3A_75 = arith.cmpi eq, %arg0, %eq3A_74 : i32
    %convert_element_type3A_76 = arith.extui %eq3A_75 : i1 to i32
    %cond3A_77 = arith.constant 0 : i32
    %cond3A_78 = arith.cmpi ne, %convert_element_type3A_76, %cond3A_77 : i32
    scf.if %cond3A_78 {
      "tpu.region"() ({
        %run_scoped3A = tpu.sem_alloc : memref<!tpu.dma_semaphore, #tpu.memory_space<semaphore_mem>>
        tpu.enqueue_dma source(%arg16 : memref<4096xf32, #tpu.memory_space<vmem_shared>>) target(%arg15 : memref<4096xf32, #tpu.memory_space<vmem>>) target_semaphore(%run_scoped3A : memref<!tpu.dma_semaphore, #tpu.memory_space<semaphore_mem>>)
        tpu.wait_dma2 semaphore(%run_scoped3A : memref<!tpu.dma_semaphore, #tpu.memory_space<semaphore_mem>>) src(%arg16 : memref<4096xf32, #tpu.memory_space<vmem_shared>>) dst(%arg15 : memref<4096xf32, #tpu.memory_space<vmem>>)
        tpu.yield
      }) : () -> ()
      %get3A = arith.constant 0 : index
      %get3A_79 = tpu.vector_load %arg9[%get3A] {strides = array<i32>} : memref<256xi32, #tpu.memory_space<vmem>>, vector<16xi32>,
      %gather3A = tpu.vector_load_idx %arg15[%get3A_79] : memref<4096xf32, #tpu.memory_space<vmem>>[vector<16xi32>], vector<16xf32>,
      %get3A_80 = arith.constant 0 : index
      %get3A_81 = tpu.vector_load %arg12[%get3A_80] {strides = array<i32>} : memref<256xf32, #tpu.memory_space<vmem>>, vector<16xf32>,
      %add3A = arith.constant 9.99999996E-13 : f32
      %add3A_82 = vector.broadcast %add3A : f32 to vector<16xf32>
      %add3A_83 = arith.addf %gather3A, %add3A_82 : vector<16xf32>
      %div3A = arith.divf %get3A_81, %add3A_83 : vector<16xf32>
      %swap3A_84 = arith.constant 0 : index
      %swap3A_85 = tpu.vector_load %arg12[%swap3A_84] {strides = array<i32>} : memref<256xf32, #tpu.memory_space<vmem>>, vector<16xf32>,
      tpu.vector_store %arg12[%swap3A_84], %div3A {strides = array<i32>} : memref<256xf32, #tpu.memory_space<vmem>>, vector<16xf32>,
      %get3A_86 = arith.constant 16 : index
      %get3A_87 = tpu.vector_load %arg9[%get3A_86] {strides = array<i32>} : memref<256xi32, #tpu.memory_space<vmem>>, vector<16xi32>,
      %gather3A_88 = tpu.vector_load_idx %arg15[%get3A_87] : memref<4096xf32, #tpu.memory_space<vmem>>[vector<16xi32>], vector<16xf32>,
      %get3A_89 = arith.constant 16 : index
      %get3A_90 = tpu.vector_load %arg12[%get3A_89] {strides = array<i32>} : memref<256xf32, #tpu.memory_space<vmem>>, vector<16xf32>,
      %add3A_91 = arith.constant 9.99999996E-13 : f32
      %add3A_92 = vector.broadcast %add3A_91 : f32 to vector<16xf32>
      %add3A_93 = arith.addf %gather3A_88, %add3A_92 : vector<16xf32>
      %div3A_94 = arith.divf %get3A_90, %add3A_93 : vector<16xf32>
      %swap3A_95 = arith.constant 16 : index
      %swap3A_96 = tpu.vector_load %arg12[%swap3A_95] {strides = array<i32>} : memref<256xf32, #tpu.memory_space<vmem>>, vector<16xf32>,
      tpu.vector_store %arg12[%swap3A_95], %div3A_94 {strides = array<i32>} : memref<256xf32, #tpu.memory_space<vmem>>, vector<16xf32>,
      %get3A_97 = arith.constant 32 : index
      %get3A_98 = tpu.vector_load %arg9[%get3A_97] {strides = array<i32>} : memref<256xi32, #tpu.memory_space<vmem>>, vector<16xi32>,
      %gather3A_99 = tpu.vector_load_idx %arg15[%get3A_98] : memref<4096xf32, #tpu.memory_space<vmem>>[vector<16xi32>], vector<16xf32>,
      %get3A_100 = arith.constant 32 : index
      %get3A_101 = tpu.vector_load %arg12[%get3A_100] {strides = array<i32>} : memref<256xf32, #tpu.memory_space<vmem>>, vector<16xf32>,
      %add3A_102 = arith.constant 9.99999996E-13 : f32
      %add3A_103 = vector.broadcast %add3A_102 : f32 to vector<16xf32>
      %add3A_104 = arith.addf %gather3A_99, %add3A_103 : vector<16xf32>
      %div3A_105 = arith.divf %get3A_101, %add3A_104 : vector<16xf32>
      %swap3A_106 = arith.constant 32 : index
      %swap3A_107 = tpu.vector_load %arg12[%swap3A_106] {strides = array<i32>} : memref<256xf32, #tpu.memory_space<vmem>>, vector<16xf32>,
      tpu.vector_store %arg12[%swap3A_106], %div3A_105 {strides = array<i32>} : memref<256xf32, #tpu.memory_space<vmem>>, vector<16xf32>,
      %get3A_108 = arith.constant 48 : index
      %get3A_109 = tpu.vector_load %arg9[%get3A_108] {strides = array<i32>} : memref<256xi32, #tpu.memory_space<vmem>>, vector<16xi32>,
      %gather3A_110 = tpu.vector_load_idx %arg15[%get3A_109] : memref<4096xf32, #tpu.memory_space<vmem>>[vector<16xi32>], vector<16xf32>,
      %get3A_111 = arith.constant 48 : index
      %get3A_112 = tpu.vector_load %arg12[%get3A_111] {strides = array<i32>} : memref<256xf32, #tpu.memory_space<vmem>>, vector<16xf32>,
      %add3A_113 = arith.constant 9.99999996E-13 : f32
      %add3A_114 = vector.broadcast %add3A_113 : f32 to vector<16xf32>
      %add3A_115 = arith.addf %gather3A_110, %add3A_114 : vector<16xf32>
      %div3A_116 = arith.divf %get3A_112, %add3A_115 : vector<16xf32>
      %swap3A_117 = arith.constant 48 : index
      %swap3A_118 = tpu.vector_load %arg12[%swap3A_117] {strides = array<i32>} : memref<256xf32, #tpu.memory_space<vmem>>, vector<16xf32>,
      tpu.vector_store %arg12[%swap3A_117], %div3A_116 {strides = array<i32>} : memref<256xf32, #tpu.memory_space<vmem>>, vector<16xf32>,
      %get3A_119 = arith.constant 64 : index
      %get3A_120 = tpu.vector_load %arg9[%get3A_119] {strides = array<i32>} : memref<256xi32, #tpu.memory_space<vmem>>, vector<16xi32>,
      %gather3A_121 = tpu.vector_load_idx %arg15[%get3A_120] : memref<4096xf32, #tpu.memory_space<vmem>>[vector<16xi32>], vector<16xf32>,
      %get3A_122 = arith.constant 64 : index
      %get3A_123 = tpu.vector_load %arg12[%get3A_122] {strides = array<i32>} : memref<256xf32, #tpu.memory_space<vmem>>, vector<16xf32>,
      %add3A_124 = arith.constant 9.99999996E-13 : f32
      %add3A_125 = vector.broadcast %add3A_124 : f32 to vector<16xf32>
      %add3A_126 = arith.addf %gather3A_121, %add3A_125 : vector<16xf32>
      %div3A_127 = arith.divf %get3A_123, %add3A_126 : vector<16xf32>
      %swap3A_128 = arith.constant 64 : index
      %swap3A_129 = tpu.vector_load %arg12[%swap3A_128] {strides = array<i32>} : memref<256xf32, #tpu.memory_space<vmem>>, vector<16xf32>,
      tpu.vector_store %arg12[%swap3A_128], %div3A_127 {strides = array<i32>} : memref<256xf32, #tpu.memory_space<vmem>>, vector<16xf32>,
      %get3A_130 = arith.constant 80 : index
      %get3A_131 = tpu.vector_load %arg9[%get3A_130] {strides = array<i32>} : memref<256xi32, #tpu.memory_space<vmem>>, vector<16xi32>,
      %gather3A_132 = tpu.vector_load_idx %arg15[%get3A_131] : memref<4096xf32, #tpu.memory_space<vmem>>[vector<16xi32>], vector<16xf32>,
      %get3A_133 = arith.constant 80 : index
      %get3A_134 = tpu.vector_load %arg12[%get3A_133] {strides = array<i32>} : memref<256xf32, #tpu.memory_space<vmem>>, vector<16xf32>,
      %add3A_135 = arith.constant 9.99999996E-13 : f32
      %add3A_136 = vector.broadcast %add3A_135 : f32 to vector<16xf32>
      %add3A_137 = arith.addf %gather3A_132, %add3A_136 : vector<16xf32>
      %div3A_138 = arith.divf %get3A_134, %add3A_137 : vector<16xf32>
      %swap3A_139 = arith.constant 80 : index
      %swap3A_140 = tpu.vector_load %arg12[%swap3A_139] {strides = array<i32>} : memref<256xf32, #tpu.memory_space<vmem>>, vector<16xf32>,
      tpu.vector_store %arg12[%swap3A_139], %div3A_138 {strides = array<i32>} : memref<256xf32, #tpu.memory_space<vmem>>, vector<16xf32>,
      %get3A_141 = arith.constant 96 : index
      %get3A_142 = tpu.vector_load %arg9[%get3A_141] {strides = array<i32>} : memref<256xi32, #tpu.memory_space<vmem>>, vector<16xi32>,
      %gather3A_143 = tpu.vector_load_idx %arg15[%get3A_142] : memref<4096xf32, #tpu.memory_space<vmem>>[vector<16xi32>], vector<16xf32>,
      %get3A_144 = arith.constant 96 : index
      %get3A_145 = tpu.vector_load %arg12[%get3A_144] {strides = array<i32>} : memref<256xf32, #tpu.memory_space<vmem>>, vector<16xf32>,
      %add3A_146 = arith.constant 9.99999996E-13 : f32
      %add3A_147 = vector.broadcast %add3A_146 : f32 to vector<16xf32>
      %add3A_148 = arith.addf %gather3A_143, %add3A_147 : vector<16xf32>
      %div3A_149 = arith.divf %get3A_145, %add3A_148 : vector<16xf32>
      %swap3A_150 = arith.constant 96 : index
      %swap3A_151 = tpu.vector_load %arg12[%swap3A_150] {strides = array<i32>} : memref<256xf32, #tpu.memory_space<vmem>>, vector<16xf32>,
      tpu.vector_store %arg12[%swap3A_150], %div3A_149 {strides = array<i32>} : memref<256xf32, #tpu.memory_space<vmem>>, vector<16xf32>,
      %get3A_152 = arith.constant 112 : index
      %get3A_153 = tpu.vector_load %arg9[%get3A_152] {strides = array<i32>} : memref<256xi32, #tpu.memory_space<vmem>>, vector<16xi32>,
      %gather3A_154 = tpu.vector_load_idx %arg15[%get3A_153] : memref<4096xf32, #tpu.memory_space<vmem>>[vector<16xi32>], vector<16xf32>,
      %get3A_155 = arith.constant 112 : index
      %get3A_156 = tpu.vector_load %arg12[%get3A_155] {strides = array<i32>} : memref<256xf32, #tpu.memory_space<vmem>>, vector<16xf32>,
      %add3A_157 = arith.constant 9.99999996E-13 : f32
      %add3A_158 = vector.broadcast %add3A_157 : f32 to vector<16xf32>
      %add3A_159 = arith.addf %gather3A_154, %add3A_158 : vector<16xf32>
      %div3A_160 = arith.divf %get3A_156, %add3A_159 : vector<16xf32>
      %swap3A_161 = arith.constant 112 : index
      %swap3A_162 = tpu.vector_load %arg12[%swap3A_161] {strides = array<i32>} : memref<256xf32, #tpu.memory_space<vmem>>, vector<16xf32>,
      tpu.vector_store %arg12[%swap3A_161], %div3A_160 {strides = array<i32>} : memref<256xf32, #tpu.memory_space<vmem>>, vector<16xf32>,
      %get3A_163 = arith.constant 128 : index
      %get3A_164 = tpu.vector_load %arg9[%get3A_163] {strides = array<i32>} : memref<256xi32, #tpu.memory_space<vmem>>, vector<16xi32>,
      %gather3A_165 = tpu.vector_load_idx %arg15[%get3A_164] : memref<4096xf32, #tpu.memory_space<vmem>>[vector<16xi32>], vector<16xf32>,
      %get3A_166 = arith.constant 128 : index
      %get3A_167 = tpu.vector_load %arg12[%get3A_166] {strides = array<i32>} : memref<256xf32, #tpu.memory_space<vmem>>, vector<16xf32>,
      %add3A_168 = arith.constant 9.99999996E-13 : f32
      %add3A_169 = vector.broadcast %add3A_168 : f32 to vector<16xf32>
      %add3A_170 = arith.addf %gather3A_165, %add3A_169 : vector<16xf32>
      %div3A_171 = arith.divf %get3A_167, %add3A_170 : vector<16xf32>
      %swap3A_172 = arith.constant 128 : index
      %swap3A_173 = tpu.vector_load %arg12[%swap3A_172] {strides = array<i32>} : memref<256xf32, #tpu.memory_space<vmem>>, vector<16xf32>,
      tpu.vector_store %arg12[%swap3A_172], %div3A_171 {strides = array<i32>} : memref<256xf32, #tpu.memory_space<vmem>>, vector<16xf32>,
      %get3A_174 = arith.constant 144 : index
      %get3A_175 = tpu.vector_load %arg9[%get3A_174] {strides = array<i32>} : memref<256xi32, #tpu.memory_space<vmem>>, vector<16xi32>,
      %gather3A_176 = tpu.vector_load_idx %arg15[%get3A_175] : memref<4096xf32, #tpu.memory_space<vmem>>[vector<16xi32>], vector<16xf32>,
      %get3A_177 = arith.constant 144 : index
      %get3A_178 = tpu.vector_load %arg12[%get3A_177] {strides = array<i32>} : memref<256xf32, #tpu.memory_space<vmem>>, vector<16xf32>,
      %add3A_179 = arith.constant 9.99999996E-13 : f32
      %add3A_180 = vector.broadcast %add3A_179 : f32 to vector<16xf32>
      %add3A_181 = arith.addf %gather3A_176, %add3A_180 : vector<16xf32>
      %div3A_182 = arith.divf %get3A_178, %add3A_181 : vector<16xf32>
      %swap3A_183 = arith.constant 144 : index
      %swap3A_184 = tpu.vector_load %arg12[%swap3A_183] {strides = array<i32>} : memref<256xf32, #tpu.memory_space<vmem>>, vector<16xf32>,
      tpu.vector_store %arg12[%swap3A_183], %div3A_182 {strides = array<i32>} : memref<256xf32, #tpu.memory_space<vmem>>, vector<16xf32>,
      %get3A_185 = arith.constant 160 : index
      %get3A_186 = tpu.vector_load %arg9[%get3A_185] {strides = array<i32>} : memref<256xi32, #tpu.memory_space<vmem>>, vector<16xi32>,
      %gather3A_187 = tpu.vector_load_idx %arg15[%get3A_186] : memref<4096xf32, #tpu.memory_space<vmem>>[vector<16xi32>], vector<16xf32>,
      %get3A_188 = arith.constant 160 : index
      %get3A_189 = tpu.vector_load %arg12[%get3A_188] {strides = array<i32>} : memref<256xf32, #tpu.memory_space<vmem>>, vector<16xf32>,
      %add3A_190 = arith.constant 9.99999996E-13 : f32
      %add3A_191 = vector.broadcast %add3A_190 : f32 to vector<16xf32>
      %add3A_192 = arith.addf %gather3A_187, %add3A_191 : vector<16xf32>
      %div3A_193 = arith.divf %get3A_189, %add3A_192 : vector<16xf32>
      %swap3A_194 = arith.constant 160 : index
      %swap3A_195 = tpu.vector_load %arg12[%swap3A_194] {strides = array<i32>} : memref<256xf32, #tpu.memory_space<vmem>>, vector<16xf32>,
      tpu.vector_store %arg12[%swap3A_194], %div3A_193 {strides = array<i32>} : memref<256xf32, #tpu.memory_space<vmem>>, vector<16xf32>,
      %get3A_196 = arith.constant 176 : index
      %get3A_197 = tpu.vector_load %arg9[%get3A_196] {strides = array<i32>} : memref<256xi32, #tpu.memory_space<vmem>>, vector<16xi32>,
      %gather3A_198 = tpu.vector_load_idx %arg15[%get3A_197] : memref<4096xf32, #tpu.memory_space<vmem>>[vector<16xi32>], vector<16xf32>,
      %get3A_199 = arith.constant 176 : index
      %get3A_200 = tpu.vector_load %arg12[%get3A_199] {strides = array<i32>} : memref<256xf32, #tpu.memory_space<vmem>>, vector<16xf32>,
      %add3A_201 = arith.constant 9.99999996E-13 : f32
      %add3A_202 = vector.broadcast %add3A_201 : f32 to vector<16xf32>
      %add3A_203 = arith.addf %gather3A_198, %add3A_202 : vector<16xf32>
      %div3A_204 = arith.divf %get3A_200, %add3A_203 : vector<16xf32>
      %swap3A_205 = arith.constant 176 : index
      %swap3A_206 = tpu.vector_load %arg12[%swap3A_205] {strides = array<i32>} : memref<256xf32, #tpu.memory_space<vmem>>, vector<16xf32>,
      tpu.vector_store %arg12[%swap3A_205], %div3A_204 {strides = array<i32>} : memref<256xf32, #tpu.memory_space<vmem>>, vector<16xf32>,
      %get3A_207 = arith.constant 192 : index
      %get3A_208 = tpu.vector_load %arg9[%get3A_207] {strides = array<i32>} : memref<256xi32, #tpu.memory_space<vmem>>, vector<16xi32>,
      %gather3A_209 = tpu.vector_load_idx %arg15[%get3A_208] : memref<4096xf32, #tpu.memory_space<vmem>>[vector<16xi32>], vector<16xf32>,
      %get3A_210 = arith.constant 192 : index
      %get3A_211 = tpu.vector_load %arg12[%get3A_210] {strides = array<i32>} : memref<256xf32, #tpu.memory_space<vmem>>, vector<16xf32>,
      %add3A_212 = arith.constant 9.99999996E-13 : f32
      %add3A_213 = vector.broadcast %add3A_212 : f32 to vector<16xf32>
      %add3A_214 = arith.addf %gather3A_209, %add3A_213 : vector<16xf32>
      %div3A_215 = arith.divf %get3A_211, %add3A_214 : vector<16xf32>
      %swap3A_216 = arith.constant 192 : index
      %swap3A_217 = tpu.vector_load %arg12[%swap3A_216] {strides = array<i32>} : memref<256xf32, #tpu.memory_space<vmem>>, vector<16xf32>,
      tpu.vector_store %arg12[%swap3A_216], %div3A_215 {strides = array<i32>} : memref<256xf32, #tpu.memory_space<vmem>>, vector<16xf32>,
      %get3A_218 = arith.constant 208 : index
      %get3A_219 = tpu.vector_load %arg9[%get3A_218] {strides = array<i32>} : memref<256xi32, #tpu.memory_space<vmem>>, vector<16xi32>,
      %gather3A_220 = tpu.vector_load_idx %arg15[%get3A_219] : memref<4096xf32, #tpu.memory_space<vmem>>[vector<16xi32>], vector<16xf32>,
      %get3A_221 = arith.constant 208 : index
      %get3A_222 = tpu.vector_load %arg12[%get3A_221] {strides = array<i32>} : memref<256xf32, #tpu.memory_space<vmem>>, vector<16xf32>,
      %add3A_223 = arith.constant 9.99999996E-13 : f32
      %add3A_224 = vector.broadcast %add3A_223 : f32 to vector<16xf32>
      %add3A_225 = arith.addf %gather3A_220, %add3A_224 : vector<16xf32>
      %div3A_226 = arith.divf %get3A_222, %add3A_225 : vector<16xf32>
      %swap3A_227 = arith.constant 208 : index
      %swap3A_228 = tpu.vector_load %arg12[%swap3A_227] {strides = array<i32>} : memref<256xf32, #tpu.memory_space<vmem>>, vector<16xf32>,
      tpu.vector_store %arg12[%swap3A_227], %div3A_226 {strides = array<i32>} : memref<256xf32, #tpu.memory_space<vmem>>, vector<16xf32>,
      %get3A_229 = arith.constant 224 : index
      %get3A_230 = tpu.vector_load %arg9[%get3A_229] {strides = array<i32>} : memref<256xi32, #tpu.memory_space<vmem>>, vector<16xi32>,
      %gather3A_231 = tpu.vector_load_idx %arg15[%get3A_230] : memref<4096xf32, #tpu.memory_space<vmem>>[vector<16xi32>], vector<16xf32>,
      %get3A_232 = arith.constant 224 : index
      %get3A_233 = tpu.vector_load %arg12[%get3A_232] {strides = array<i32>} : memref<256xf32, #tpu.memory_space<vmem>>, vector<16xf32>,
      %add3A_234 = arith.constant 9.99999996E-13 : f32
      %add3A_235 = vector.broadcast %add3A_234 : f32 to vector<16xf32>
      %add3A_236 = arith.addf %gather3A_231, %add3A_235 : vector<16xf32>
      %div3A_237 = arith.divf %get3A_233, %add3A_236 : vector<16xf32>
      %swap3A_238 = arith.constant 224 : index
      %swap3A_239 = tpu.vector_load %arg12[%swap3A_238] {strides = array<i32>} : memref<256xf32, #tpu.memory_space<vmem>>, vector<16xf32>,
      tpu.vector_store %arg12[%swap3A_238], %div3A_237 {strides = array<i32>} : memref<256xf32, #tpu.memory_space<vmem>>, vector<16xf32>,
      %get3A_240 = arith.constant 240 : index
      %get3A_241 = tpu.vector_load %arg9[%get3A_240] {strides = array<i32>} : memref<256xi32, #tpu.memory_space<vmem>>, vector<16xi32>,
      %gather3A_242 = tpu.vector_load_idx %arg15[%get3A_241] : memref<4096xf32, #tpu.memory_space<vmem>>[vector<16xi32>], vector<16xf32>,
      %get3A_243 = arith.constant 240 : index
      %get3A_244 = tpu.vector_load %arg12[%get3A_243] {strides = array<i32>} : memref<256xf32, #tpu.memory_space<vmem>>, vector<16xf32>,
      %add3A_245 = arith.constant 9.99999996E-13 : f32
      %add3A_246 = vector.broadcast %add3A_245 : f32 to vector<16xf32>
      %add3A_247 = arith.addf %gather3A_242, %add3A_246 : vector<16xf32>
      %div3A_248 = arith.divf %get3A_244, %add3A_247 : vector<16xf32>
      %swap3A_249 = arith.constant 240 : index
      %swap3A_250 = tpu.vector_load %arg12[%swap3A_249] {strides = array<i32>} : memref<256xf32, #tpu.memory_space<vmem>>, vector<16xf32>,
      tpu.vector_store %arg12[%swap3A_249], %div3A_248 {strides = array<i32>} : memref<256xf32, #tpu.memory_space<vmem>>, vector<16xf32>,
      %mul3A_251 = arith.constant 256 : i32
      %mul3A_252 = arith.muli %arg1, %mul3A_251 : i32
      "tpu.region"() ({
        %run_scoped3A = tpu.sem_alloc : memref<!tpu.dma_semaphore, #tpu.memory_space<semaphore_mem>>
        %dma_start3A_429 = tpu.memref_slice %arg4[%mul3A_252] : memref<4096xi32, #tpu.memory_space<hbm>> -> memref<256xi32, #tpu.memory_space<hbm>>
        %dma_start3A_430 = tpu.memref_slice %arg4[%mul3A_252] : memref<4096xi32, #tpu.memory_space<hbm>> -> memref<256xi32, #tpu.memory_space<hbm>>
        tpu.enqueue_dma source(%arg9 : memref<256xi32, #tpu.memory_space<vmem>>) target(%dma_start3A_430 : memref<256xi32, #tpu.memory_space<hbm>>) target_semaphore(%run_scoped3A : memref<!tpu.dma_semaphore, #tpu.memory_space<semaphore_mem>>)
        %dma_wait3A_431 = tpu.memref_slice %arg4[%mul3A_252] : memref<4096xi32, #tpu.memory_space<hbm>> -> memref<256xi32, #tpu.memory_space<hbm>>
        %dma_wait3A_432 = tpu.memref_slice %arg4[%mul3A_252] : memref<4096xi32, #tpu.memory_space<hbm>> -> memref<256xi32, #tpu.memory_space<hbm>>
        tpu.wait_dma2 semaphore(%run_scoped3A : memref<!tpu.dma_semaphore, #tpu.memory_space<semaphore_mem>>) src(%arg9 : memref<256xi32, #tpu.memory_space<vmem>>) dst(%dma_wait3A_432 : memref<256xi32, #tpu.memory_space<hbm>>)
        tpu.yield
      }) : () -> ()
      %mul3A_253 = arith.constant 256 : i32
      %mul3A_254 = arith.muli %arg1, %mul3A_253 : i32
      "tpu.region"() ({
        %run_scoped3A = tpu.sem_alloc : memref<!tpu.dma_semaphore, #tpu.memory_space<semaphore_mem>>
        %dma_start3A_429 = tpu.memref_slice %arg5[%mul3A_254] : memref<4096xf32, #tpu.memory_space<hbm>> -> memref<256xf32, #tpu.memory_space<hbm>>
        %dma_start3A_430 = tpu.memref_slice %arg5[%mul3A_254] : memref<4096xf32, #tpu.memory_space<hbm>> -> memref<256xf32, #tpu.memory_space<hbm>>
        tpu.enqueue_dma source(%arg12 : memref<256xf32, #tpu.memory_space<vmem>>) target(%dma_start3A_430 : memref<256xf32, #tpu.memory_space<hbm>>) target_semaphore(%run_scoped3A : memref<!tpu.dma_semaphore, #tpu.memory_space<semaphore_mem>>)
        %dma_wait3A_431 = tpu.memref_slice %arg5[%mul3A_254] : memref<4096xf32, #tpu.memory_space<hbm>> -> memref<256xf32, #tpu.memory_space<hbm>>
        %dma_wait3A_432 = tpu.memref_slice %arg5[%mul3A_254] : memref<4096xf32, #tpu.memory_space<hbm>> -> memref<256xf32, #tpu.memory_space<hbm>>
        tpu.wait_dma2 semaphore(%run_scoped3A : memref<!tpu.dma_semaphore, #tpu.memory_space<semaphore_mem>>) src(%arg12 : memref<256xf32, #tpu.memory_space<vmem>>) dst(%dma_wait3A_432 : memref<256xf32, #tpu.memory_space<hbm>>)
        tpu.yield
      }) : () -> ()
      %dma_start3A = arith.constant 0 : i32
      %dma_start3A_255 = tpu.memref_slice %arg9[%dma_start3A] : memref<256xi32, #tpu.memory_space<vmem>> -> memref<32xi32, #tpu.memory_space<vmem>>
      %dma_start3A_256 = arith.constant 0 : i32
      %dma_start3A_257 = arith.constant 0 : i32
      %dma_start3A_258 = tpu.memref_slice %arg3[%dma_start3A_256, %dma_start3A_257] : memref<4096x1024xf32, #tpu.memory_space<hbm>> -> memref<4096x1024xf32, #tpu.memory_space<hbm>>
      tpu.enqueue_indirect_dma source(%dma_start3A_258 : memref<4096x1024xf32, #tpu.memory_space<hbm>>) target(%arg17 : memref<32x1024xf32, #tpu.memory_space<vmem>>) offsets(%dma_start3A_255 : memref<32xi32, #tpu.memory_space<vmem>>) semaphore(%arg19 : memref<!tpu.dma_semaphore, #tpu.memory_space<semaphore_mem>>)
      %dma_wait3A = arith.constant 0 : i32
      %dma_wait3A_259 = tpu.memref_slice %arg9[%dma_wait3A] : memref<256xi32, #tpu.memory_space<vmem>> -> memref<32xi32, #tpu.memory_space<vmem>>
      %dma_wait3A_260 = arith.constant 0 : i32
      %dma_wait3A_261 = arith.constant 0 : i32
      %dma_wait3A_262 = tpu.memref_slice %arg3[%dma_wait3A_260, %dma_wait3A_261] : memref<4096x1024xf32, #tpu.memory_space<hbm>> -> memref<4096x1024xf32, #tpu.memory_space<hbm>>
      tpu.wait_indirect_dma semaphore(%arg19 : memref<!tpu.dma_semaphore, #tpu.memory_space<semaphore_mem>>) src(%dma_wait3A_262 : memref<4096x1024xf32, #tpu.memory_space<hbm>>) dst(%arg17 : memref<32x1024xf32, #tpu.memory_space<vmem>>)
      %mul3A_263 = arith.constant 256 : i32
      %mul3A_264 = arith.muli %arg1, %mul3A_263 : i32
      %add3A_265 = arith.constant 0 : i32
      %add3A_266 = arith.addi %mul3A_264, %add3A_265 : i32
      %dma_start3A_267 = arith.constant 0 : i32
      %dma_start3A_268 = tpu.memref_slice %arg6[%add3A_266, %dma_start3A_267] : memref<4096x1024xf32, #tpu.memory_space<hbm>> -> memref<32x1024xf32, #tpu.memory_space<hbm>>
      %dma_start3A_269 = arith.constant 0 : i32
      %dma_start3A_270 = tpu.memref_slice %arg6[%add3A_266, %dma_start3A_269] : memref<4096x1024xf32, #tpu.memory_space<hbm>> -> memref<32x1024xf32, #tpu.memory_space<hbm>>
      tpu.enqueue_dma source(%arg17 : memref<32x1024xf32, #tpu.memory_space<vmem>>) target(%dma_start3A_270 : memref<32x1024xf32, #tpu.memory_space<hbm>>) target_semaphore(%arg20 : memref<!tpu.dma_semaphore, #tpu.memory_space<semaphore_mem>>)
      %dma_start3A_271 = arith.constant 32 : i32
      %dma_start3A_272 = tpu.memref_slice %arg9[%dma_start3A_271] : memref<256xi32, #tpu.memory_space<vmem>> -> memref<32xi32, #tpu.memory_space<vmem>>
      %dma_start3A_273 = arith.constant 0 : i32
      %dma_start3A_274 = arith.constant 0 : i32
      %dma_start3A_275 = tpu.memref_slice %arg3[%dma_start3A_273, %dma_start3A_274] : memref<4096x1024xf32, #tpu.memory_space<hbm>> -> memref<4096x1024xf32, #tpu.memory_space<hbm>>
      tpu.enqueue_indirect_dma source(%dma_start3A_275 : memref<4096x1024xf32, #tpu.memory_space<hbm>>) target(%arg18 : memref<32x1024xf32, #tpu.memory_space<vmem>>) offsets(%dma_start3A_272 : memref<32xi32, #tpu.memory_space<vmem>>) semaphore(%arg19 : memref<!tpu.dma_semaphore, #tpu.memory_space<semaphore_mem>>)
      %dma_wait3A_276 = arith.constant 0 : i32
      %dma_wait3A_277 = tpu.memref_slice %arg6[%add3A_266, %dma_wait3A_276] : memref<4096x1024xf32, #tpu.memory_space<hbm>> -> memref<32x1024xf32, #tpu.memory_space<hbm>>
      %dma_wait3A_278 = arith.constant 0 : i32
      %dma_wait3A_279 = tpu.memref_slice %arg6[%add3A_266, %dma_wait3A_278] : memref<4096x1024xf32, #tpu.memory_space<hbm>> -> memref<32x1024xf32, #tpu.memory_space<hbm>>
      tpu.wait_dma2 semaphore(%arg20 : memref<!tpu.dma_semaphore, #tpu.memory_space<semaphore_mem>>) src(%arg17 : memref<32x1024xf32, #tpu.memory_space<vmem>>) dst(%dma_wait3A_279 : memref<32x1024xf32, #tpu.memory_space<hbm>>)
      %dma_wait3A_280 = arith.constant 32 : i32
      %dma_wait3A_281 = tpu.memref_slice %arg9[%dma_wait3A_280] : memref<256xi32, #tpu.memory_space<vmem>> -> memref<32xi32, #tpu.memory_space<vmem>>
      %dma_wait3A_282 = arith.constant 0 : i32
      %dma_wait3A_283 = arith.constant 0 : i32
      %dma_wait3A_284 = tpu.memref_slice %arg3[%dma_wait3A_282, %dma_wait3A_283] : memref<4096x1024xf32, #tpu.memory_space<hbm>> -> memref<4096x1024xf32, #tpu.memory_space<hbm>>
      tpu.wait_indirect_dma semaphore(%arg19 : memref<!tpu.dma_semaphore, #tpu.memory_space<semaphore_mem>>) src(%dma_wait3A_284 : memref<4096x1024xf32, #tpu.memory_space<hbm>>) dst(%arg18 : memref<32x1024xf32, #tpu.memory_space<vmem>>)
      %mul3A_285 = arith.constant 256 : i32
      %mul3A_286 = arith.muli %arg1, %mul3A_285 : i32
      %add3A_287 = arith.constant 32 : i32
      %add3A_288 = arith.addi %mul3A_286, %add3A_287 : i32
      %dma_start3A_289 = arith.constant 0 : i32
      %dma_start3A_290 = tpu.memref_slice %arg6[%add3A_288, %dma_start3A_289] : memref<4096x1024xf32, #tpu.memory_space<hbm>> -> memref<32x1024xf32, #tpu.memory_space<hbm>>
      %dma_start3A_291 = arith.constant 0 : i32
      %dma_start3A_292 = tpu.memref_slice %arg6[%add3A_288, %dma_start3A_291] : memref<4096x1024xf32, #tpu.memory_space<hbm>> -> memref<32x1024xf32, #tpu.memory_space<hbm>>
      tpu.enqueue_dma source(%arg18 : memref<32x1024xf32, #tpu.memory_space<vmem>>) target(%dma_start3A_292 : memref<32x1024xf32, #tpu.memory_space<hbm>>) target_semaphore(%arg20 : memref<!tpu.dma_semaphore, #tpu.memory_space<semaphore_mem>>)
      %dma_start3A_293 = arith.constant 64 : i32
      %dma_start3A_294 = tpu.memref_slice %arg9[%dma_start3A_293] : memref<256xi32, #tpu.memory_space<vmem>> -> memref<32xi32, #tpu.memory_space<vmem>>
      %dma_start3A_295 = arith.constant 0 : i32
      %dma_start3A_296 = arith.constant 0 : i32
      %dma_start3A_297 = tpu.memref_slice %arg3[%dma_start3A_295, %dma_start3A_296] : memref<4096x1024xf32, #tpu.memory_space<hbm>> -> memref<4096x1024xf32, #tpu.memory_space<hbm>>
      tpu.enqueue_indirect_dma source(%dma_start3A_297 : memref<4096x1024xf32, #tpu.memory_space<hbm>>) target(%arg17 : memref<32x1024xf32, #tpu.memory_space<vmem>>) offsets(%dma_start3A_294 : memref<32xi32, #tpu.memory_space<vmem>>) semaphore(%arg19 : memref<!tpu.dma_semaphore, #tpu.memory_space<semaphore_mem>>)
      %dma_wait3A_298 = arith.constant 0 : i32
      %dma_wait3A_299 = tpu.memref_slice %arg6[%add3A_288, %dma_wait3A_298] : memref<4096x1024xf32, #tpu.memory_space<hbm>> -> memref<32x1024xf32, #tpu.memory_space<hbm>>
      %dma_wait3A_300 = arith.constant 0 : i32
      %dma_wait3A_301 = tpu.memref_slice %arg6[%add3A_288, %dma_wait3A_300] : memref<4096x1024xf32, #tpu.memory_space<hbm>> -> memref<32x1024xf32, #tpu.memory_space<hbm>>
      tpu.wait_dma2 semaphore(%arg20 : memref<!tpu.dma_semaphore, #tpu.memory_space<semaphore_mem>>) src(%arg18 : memref<32x1024xf32, #tpu.memory_space<vmem>>) dst(%dma_wait3A_301 : memref<32x1024xf32, #tpu.memory_space<hbm>>)
      %dma_wait3A_302 = arith.constant 64 : i32
      %dma_wait3A_303 = tpu.memref_slice %arg9[%dma_wait3A_302] : memref<256xi32, #tpu.memory_space<vmem>> -> memref<32xi32, #tpu.memory_space<vmem>>
      %dma_wait3A_304 = arith.constant 0 : i32
      %dma_wait3A_305 = arith.constant 0 : i32
      %dma_wait3A_306 = tpu.memref_slice %arg3[%dma_wait3A_304, %dma_wait3A_305] : memref<4096x1024xf32, #tpu.memory_space<hbm>> -> memref<4096x1024xf32, #tpu.memory_space<hbm>>
      tpu.wait_indirect_dma semaphore(%arg19 : memref<!tpu.dma_semaphore, #tpu.memory_space<semaphore_mem>>) src(%dma_wait3A_306 : memref<4096x1024xf32, #tpu.memory_space<hbm>>) dst(%arg17 : memref<32x1024xf32, #tpu.memory_space<vmem>>)
      %mul3A_307 = arith.constant 256 : i32
      %mul3A_308 = arith.muli %arg1, %mul3A_307 : i32
      %add3A_309 = arith.constant 64 : i32
      %add3A_310 = arith.addi %mul3A_308, %add3A_309 : i32
      %dma_start3A_311 = arith.constant 0 : i32
      %dma_start3A_312 = tpu.memref_slice %arg6[%add3A_310, %dma_start3A_311] : memref<4096x1024xf32, #tpu.memory_space<hbm>> -> memref<32x1024xf32, #tpu.memory_space<hbm>>
      %dma_start3A_313 = arith.constant 0 : i32
      %dma_start3A_314 = tpu.memref_slice %arg6[%add3A_310, %dma_start3A_313] : memref<4096x1024xf32, #tpu.memory_space<hbm>> -> memref<32x1024xf32, #tpu.memory_space<hbm>>
      tpu.enqueue_dma source(%arg17 : memref<32x1024xf32, #tpu.memory_space<vmem>>) target(%dma_start3A_314 : memref<32x1024xf32, #tpu.memory_space<hbm>>) target_semaphore(%arg20 : memref<!tpu.dma_semaphore, #tpu.memory_space<semaphore_mem>>)
      %dma_start3A_315 = arith.constant 96 : i32
      %dma_start3A_316 = tpu.memref_slice %arg9[%dma_start3A_315] : memref<256xi32, #tpu.memory_space<vmem>> -> memref<32xi32, #tpu.memory_space<vmem>>
      %dma_start3A_317 = arith.constant 0 : i32
      %dma_start3A_318 = arith.constant 0 : i32
      %dma_start3A_319 = tpu.memref_slice %arg3[%dma_start3A_317, %dma_start3A_318] : memref<4096x1024xf32, #tpu.memory_space<hbm>> -> memref<4096x1024xf32, #tpu.memory_space<hbm>>
      tpu.enqueue_indirect_dma source(%dma_start3A_319 : memref<4096x1024xf32, #tpu.memory_space<hbm>>) target(%arg18 : memref<32x1024xf32, #tpu.memory_space<vmem>>) offsets(%dma_start3A_316 : memref<32xi32, #tpu.memory_space<vmem>>) semaphore(%arg19 : memref<!tpu.dma_semaphore, #tpu.memory_space<semaphore_mem>>)
      %dma_wait3A_320 = arith.constant 0 : i32
      %dma_wait3A_321 = tpu.memref_slice %arg6[%add3A_310, %dma_wait3A_320] : memref<4096x1024xf32, #tpu.memory_space<hbm>> -> memref<32x1024xf32, #tpu.memory_space<hbm>>
      %dma_wait3A_322 = arith.constant 0 : i32
      %dma_wait3A_323 = tpu.memref_slice %arg6[%add3A_310, %dma_wait3A_322] : memref<4096x1024xf32, #tpu.memory_space<hbm>> -> memref<32x1024xf32, #tpu.memory_space<hbm>>
      tpu.wait_dma2 semaphore(%arg20 : memref<!tpu.dma_semaphore, #tpu.memory_space<semaphore_mem>>) src(%arg17 : memref<32x1024xf32, #tpu.memory_space<vmem>>) dst(%dma_wait3A_323 : memref<32x1024xf32, #tpu.memory_space<hbm>>)
      %dma_wait3A_324 = arith.constant 96 : i32
      %dma_wait3A_325 = tpu.memref_slice %arg9[%dma_wait3A_324] : memref<256xi32, #tpu.memory_space<vmem>> -> memref<32xi32, #tpu.memory_space<vmem>>
      %dma_wait3A_326 = arith.constant 0 : i32
      %dma_wait3A_327 = arith.constant 0 : i32
      %dma_wait3A_328 = tpu.memref_slice %arg3[%dma_wait3A_326, %dma_wait3A_327] : memref<4096x1024xf32, #tpu.memory_space<hbm>> -> memref<4096x1024xf32, #tpu.memory_space<hbm>>
      tpu.wait_indirect_dma semaphore(%arg19 : memref<!tpu.dma_semaphore, #tpu.memory_space<semaphore_mem>>) src(%dma_wait3A_328 : memref<4096x1024xf32, #tpu.memory_space<hbm>>) dst(%arg18 : memref<32x1024xf32, #tpu.memory_space<vmem>>)
      %mul3A_329 = arith.constant 256 : i32
      %mul3A_330 = arith.muli %arg1, %mul3A_329 : i32
      %add3A_331 = arith.constant 96 : i32
      %add3A_332 = arith.addi %mul3A_330, %add3A_331 : i32
      %dma_start3A_333 = arith.constant 0 : i32
      %dma_start3A_334 = tpu.memref_slice %arg6[%add3A_332, %dma_start3A_333] : memref<4096x1024xf32, #tpu.memory_space<hbm>> -> memref<32x1024xf32, #tpu.memory_space<hbm>>
      %dma_start3A_335 = arith.constant 0 : i32
      %dma_start3A_336 = tpu.memref_slice %arg6[%add3A_332, %dma_start3A_335] : memref<4096x1024xf32, #tpu.memory_space<hbm>> -> memref<32x1024xf32, #tpu.memory_space<hbm>>
      tpu.enqueue_dma source(%arg18 : memref<32x1024xf32, #tpu.memory_space<vmem>>) target(%dma_start3A_336 : memref<32x1024xf32, #tpu.memory_space<hbm>>) target_semaphore(%arg20 : memref<!tpu.dma_semaphore, #tpu.memory_space<semaphore_mem>>)
      %dma_start3A_337 = arith.constant 128 : i32
      %dma_start3A_338 = tpu.memref_slice %arg9[%dma_start3A_337] : memref<256xi32, #tpu.memory_space<vmem>> -> memref<32xi32, #tpu.memory_space<vmem>>
      %dma_start3A_339 = arith.constant 0 : i32
      %dma_start3A_340 = arith.constant 0 : i32
      %dma_start3A_341 = tpu.memref_slice %arg3[%dma_start3A_339, %dma_start3A_340] : memref<4096x1024xf32, #tpu.memory_space<hbm>> -> memref<4096x1024xf32, #tpu.memory_space<hbm>>
      tpu.enqueue_indirect_dma source(%dma_start3A_341 : memref<4096x1024xf32, #tpu.memory_space<hbm>>) target(%arg17 : memref<32x1024xf32, #tpu.memory_space<vmem>>) offsets(%dma_start3A_338 : memref<32xi32, #tpu.memory_space<vmem>>) semaphore(%arg19 : memref<!tpu.dma_semaphore, #tpu.memory_space<semaphore_mem>>)
      %dma_wait3A_342 = arith.constant 0 : i32
      %dma_wait3A_343 = tpu.memref_slice %arg6[%add3A_332, %dma_wait3A_342] : memref<4096x1024xf32, #tpu.memory_space<hbm>> -> memref<32x1024xf32, #tpu.memory_space<hbm>>
      %dma_wait3A_344 = arith.constant 0 : i32
      %dma_wait3A_345 = tpu.memref_slice %arg6[%add3A_332, %dma_wait3A_344] : memref<4096x1024xf32, #tpu.memory_space<hbm>> -> memref<32x1024xf32, #tpu.memory_space<hbm>>
      tpu.wait_dma2 semaphore(%arg20 : memref<!tpu.dma_semaphore, #tpu.memory_space<semaphore_mem>>) src(%arg18 : memref<32x1024xf32, #tpu.memory_space<vmem>>) dst(%dma_wait3A_345 : memref<32x1024xf32, #tpu.memory_space<hbm>>)
      %dma_wait3A_346 = arith.constant 128 : i32
      %dma_wait3A_347 = tpu.memref_slice %arg9[%dma_wait3A_346] : memref<256xi32, #tpu.memory_space<vmem>> -> memref<32xi32, #tpu.memory_space<vmem>>
      %dma_wait3A_348 = arith.constant 0 : i32
      %dma_wait3A_349 = arith.constant 0 : i32
      %dma_wait3A_350 = tpu.memref_slice %arg3[%dma_wait3A_348, %dma_wait3A_349] : memref<4096x1024xf32, #tpu.memory_space<hbm>> -> memref<4096x1024xf32, #tpu.memory_space<hbm>>
      tpu.wait_indirect_dma semaphore(%arg19 : memref<!tpu.dma_semaphore, #tpu.memory_space<semaphore_mem>>) src(%dma_wait3A_350 : memref<4096x1024xf32, #tpu.memory_space<hbm>>) dst(%arg17 : memref<32x1024xf32, #tpu.memory_space<vmem>>)
      %mul3A_351 = arith.constant 256 : i32
      %mul3A_352 = arith.muli %arg1, %mul3A_351 : i32
      %add3A_353 = arith.constant 128 : i32
      %add3A_354 = arith.addi %mul3A_352, %add3A_353 : i32
      %dma_start3A_355 = arith.constant 0 : i32
      %dma_start3A_356 = tpu.memref_slice %arg6[%add3A_354, %dma_start3A_355] : memref<4096x1024xf32, #tpu.memory_space<hbm>> -> memref<32x1024xf32, #tpu.memory_space<hbm>>
      %dma_start3A_357 = arith.constant 0 : i32
      %dma_start3A_358 = tpu.memref_slice %arg6[%add3A_354, %dma_start3A_357] : memref<4096x1024xf32, #tpu.memory_space<hbm>> -> memref<32x1024xf32, #tpu.memory_space<hbm>>
      tpu.enqueue_dma source(%arg17 : memref<32x1024xf32, #tpu.memory_space<vmem>>) target(%dma_start3A_358 : memref<32x1024xf32, #tpu.memory_space<hbm>>) target_semaphore(%arg20 : memref<!tpu.dma_semaphore, #tpu.memory_space<semaphore_mem>>)
      %dma_start3A_359 = arith.constant 160 : i32
      %dma_start3A_360 = tpu.memref_slice %arg9[%dma_start3A_359] : memref<256xi32, #tpu.memory_space<vmem>> -> memref<32xi32, #tpu.memory_space<vmem>>
      %dma_start3A_361 = arith.constant 0 : i32
      %dma_start3A_362 = arith.constant 0 : i32
      %dma_start3A_363 = tpu.memref_slice %arg3[%dma_start3A_361, %dma_start3A_362] : memref<4096x1024xf32, #tpu.memory_space<hbm>> -> memref<4096x1024xf32, #tpu.memory_space<hbm>>
      tpu.enqueue_indirect_dma source(%dma_start3A_363 : memref<4096x1024xf32, #tpu.memory_space<hbm>>) target(%arg18 : memref<32x1024xf32, #tpu.memory_space<vmem>>) offsets(%dma_start3A_360 : memref<32xi32, #tpu.memory_space<vmem>>) semaphore(%arg19 : memref<!tpu.dma_semaphore, #tpu.memory_space<semaphore_mem>>)
      %dma_wait3A_364 = arith.constant 0 : i32
      %dma_wait3A_365 = tpu.memref_slice %arg6[%add3A_354, %dma_wait3A_364] : memref<4096x1024xf32, #tpu.memory_space<hbm>> -> memref<32x1024xf32, #tpu.memory_space<hbm>>
      %dma_wait3A_366 = arith.constant 0 : i32
      %dma_wait3A_367 = tpu.memref_slice %arg6[%add3A_354, %dma_wait3A_366] : memref<4096x1024xf32, #tpu.memory_space<hbm>> -> memref<32x1024xf32, #tpu.memory_space<hbm>>
      tpu.wait_dma2 semaphore(%arg20 : memref<!tpu.dma_semaphore, #tpu.memory_space<semaphore_mem>>) src(%arg17 : memref<32x1024xf32, #tpu.memory_space<vmem>>) dst(%dma_wait3A_367 : memref<32x1024xf32, #tpu.memory_space<hbm>>)
      %dma_wait3A_368 = arith.constant 160 : i32
      %dma_wait3A_369 = tpu.memref_slice %arg9[%dma_wait3A_368] : memref<256xi32, #tpu.memory_space<vmem>> -> memref<32xi32, #tpu.memory_space<vmem>>
      %dma_wait3A_370 = arith.constant 0 : i32
      %dma_wait3A_371 = arith.constant 0 : i32
      %dma_wait3A_372 = tpu.memref_slice %arg3[%dma_wait3A_370, %dma_wait3A_371] : memref<4096x1024xf32, #tpu.memory_space<hbm>> -> memref<4096x1024xf32, #tpu.memory_space<hbm>>
      tpu.wait_indirect_dma semaphore(%arg19 : memref<!tpu.dma_semaphore, #tpu.memory_space<semaphore_mem>>) src(%dma_wait3A_372 : memref<4096x1024xf32, #tpu.memory_space<hbm>>) dst(%arg18 : memref<32x1024xf32, #tpu.memory_space<vmem>>)
      %mul3A_373 = arith.constant 256 : i32
      %mul3A_374 = arith.muli %arg1, %mul3A_373 : i32
      %add3A_375 = arith.constant 160 : i32
      %add3A_376 = arith.addi %mul3A_374, %add3A_375 : i32
      %dma_start3A_377 = arith.constant 0 : i32
      %dma_start3A_378 = tpu.memref_slice %arg6[%add3A_376, %dma_start3A_377] : memref<4096x1024xf32, #tpu.memory_space<hbm>> -> memref<32x1024xf32, #tpu.memory_space<hbm>>
      %dma_start3A_379 = arith.constant 0 : i32
      %dma_start3A_380 = tpu.memref_slice %arg6[%add3A_376, %dma_start3A_379] : memref<4096x1024xf32, #tpu.memory_space<hbm>> -> memref<32x1024xf32, #tpu.memory_space<hbm>>
      tpu.enqueue_dma source(%arg18 : memref<32x1024xf32, #tpu.memory_space<vmem>>) target(%dma_start3A_380 : memref<32x1024xf32, #tpu.memory_space<hbm>>) target_semaphore(%arg20 : memref<!tpu.dma_semaphore, #tpu.memory_space<semaphore_mem>>)
      %dma_start3A_381 = arith.constant 192 : i32
      %dma_start3A_382 = tpu.memref_slice %arg9[%dma_start3A_381] : memref<256xi32, #tpu.memory_space<vmem>> -> memref<32xi32, #tpu.memory_space<vmem>>
      %dma_start3A_383 = arith.constant 0 : i32
      %dma_start3A_384 = arith.constant 0 : i32
      %dma_start3A_385 = tpu.memref_slice %arg3[%dma_start3A_383, %dma_start3A_384] : memref<4096x1024xf32, #tpu.memory_space<hbm>> -> memref<4096x1024xf32, #tpu.memory_space<hbm>>
      tpu.enqueue_indirect_dma source(%dma_start3A_385 : memref<4096x1024xf32, #tpu.memory_space<hbm>>) target(%arg17 : memref<32x1024xf32, #tpu.memory_space<vmem>>) offsets(%dma_start3A_382 : memref<32xi32, #tpu.memory_space<vmem>>) semaphore(%arg19 : memref<!tpu.dma_semaphore, #tpu.memory_space<semaphore_mem>>)
      %dma_wait3A_386 = arith.constant 0 : i32
      %dma_wait3A_387 = tpu.memref_slice %arg6[%add3A_376, %dma_wait3A_386] : memref<4096x1024xf32, #tpu.memory_space<hbm>> -> memref<32x1024xf32, #tpu.memory_space<hbm>>
      %dma_wait3A_388 = arith.constant 0 : i32
      %dma_wait3A_389 = tpu.memref_slice %arg6[%add3A_376, %dma_wait3A_388] : memref<4096x1024xf32, #tpu.memory_space<hbm>> -> memref<32x1024xf32, #tpu.memory_space<hbm>>
      tpu.wait_dma2 semaphore(%arg20 : memref<!tpu.dma_semaphore, #tpu.memory_space<semaphore_mem>>) src(%arg18 : memref<32x1024xf32, #tpu.memory_space<vmem>>) dst(%dma_wait3A_389 : memref<32x1024xf32, #tpu.memory_space<hbm>>)
      %dma_wait3A_390 = arith.constant 192 : i32
      %dma_wait3A_391 = tpu.memref_slice %arg9[%dma_wait3A_390] : memref<256xi32, #tpu.memory_space<vmem>> -> memref<32xi32, #tpu.memory_space<vmem>>
      %dma_wait3A_392 = arith.constant 0 : i32
      %dma_wait3A_393 = arith.constant 0 : i32
      %dma_wait3A_394 = tpu.memref_slice %arg3[%dma_wait3A_392, %dma_wait3A_393] : memref<4096x1024xf32, #tpu.memory_space<hbm>> -> memref<4096x1024xf32, #tpu.memory_space<hbm>>
      tpu.wait_indirect_dma semaphore(%arg19 : memref<!tpu.dma_semaphore, #tpu.memory_space<semaphore_mem>>) src(%dma_wait3A_394 : memref<4096x1024xf32, #tpu.memory_space<hbm>>) dst(%arg17 : memref<32x1024xf32, #tpu.memory_space<vmem>>)
      %mul3A_395 = arith.constant 256 : i32
      %mul3A_396 = arith.muli %arg1, %mul3A_395 : i32
      %add3A_397 = arith.constant 192 : i32
      %add3A_398 = arith.addi %mul3A_396, %add3A_397 : i32
      %dma_start3A_399 = arith.constant 0 : i32
      %dma_start3A_400 = tpu.memref_slice %arg6[%add3A_398, %dma_start3A_399] : memref<4096x1024xf32, #tpu.memory_space<hbm>> -> memref<32x1024xf32, #tpu.memory_space<hbm>>
      %dma_start3A_401 = arith.constant 0 : i32
      %dma_start3A_402 = tpu.memref_slice %arg6[%add3A_398, %dma_start3A_401] : memref<4096x1024xf32, #tpu.memory_space<hbm>> -> memref<32x1024xf32, #tpu.memory_space<hbm>>
      tpu.enqueue_dma source(%arg17 : memref<32x1024xf32, #tpu.memory_space<vmem>>) target(%dma_start3A_402 : memref<32x1024xf32, #tpu.memory_space<hbm>>) target_semaphore(%arg20 : memref<!tpu.dma_semaphore, #tpu.memory_space<semaphore_mem>>)
      %dma_start3A_403 = arith.constant 224 : i32
      %dma_start3A_404 = tpu.memref_slice %arg9[%dma_start3A_403] : memref<256xi32, #tpu.memory_space<vmem>> -> memref<32xi32, #tpu.memory_space<vmem>>
      %dma_start3A_405 = arith.constant 0 : i32
      %dma_start3A_406 = arith.constant 0 : i32
      %dma_start3A_407 = tpu.memref_slice %arg3[%dma_start3A_405, %dma_start3A_406] : memref<4096x1024xf32, #tpu.memory_space<hbm>> -> memref<4096x1024xf32, #tpu.memory_space<hbm>>
      tpu.enqueue_indirect_dma source(%dma_start3A_407 : memref<4096x1024xf32, #tpu.memory_space<hbm>>) target(%arg18 : memref<32x1024xf32, #tpu.memory_space<vmem>>) offsets(%dma_start3A_404 : memref<32xi32, #tpu.memory_space<vmem>>) semaphore(%arg19 : memref<!tpu.dma_semaphore, #tpu.memory_space<semaphore_mem>>)
      %dma_wait3A_408 = arith.constant 0 : i32
      %dma_wait3A_409 = tpu.memref_slice %arg6[%add3A_398, %dma_wait3A_408] : memref<4096x1024xf32, #tpu.memory_space<hbm>> -> memref<32x1024xf32, #tpu.memory_space<hbm>>
      %dma_wait3A_410 = arith.constant 0 : i32
      %dma_wait3A_411 = tpu.memref_slice %arg6[%add3A_398, %dma_wait3A_410] : memref<4096x1024xf32, #tpu.memory_space<hbm>> -> memref<32x1024xf32, #tpu.memory_space<hbm>>
      tpu.wait_dma2 semaphore(%arg20 : memref<!tpu.dma_semaphore, #tpu.memory_space<semaphore_mem>>) src(%arg17 : memref<32x1024xf32, #tpu.memory_space<vmem>>) dst(%dma_wait3A_411 : memref<32x1024xf32, #tpu.memory_space<hbm>>)
      %dma_wait3A_412 = arith.constant 224 : i32
      %dma_wait3A_413 = tpu.memref_slice %arg9[%dma_wait3A_412] : memref<256xi32, #tpu.memory_space<vmem>> -> memref<32xi32, #tpu.memory_space<vmem>>
      %dma_wait3A_414 = arith.constant 0 : i32
      %dma_wait3A_415 = arith.constant 0 : i32
      %dma_wait3A_416 = tpu.memref_slice %arg3[%dma_wait3A_414, %dma_wait3A_415] : memref<4096x1024xf32, #tpu.memory_space<hbm>> -> memref<4096x1024xf32, #tpu.memory_space<hbm>>
      tpu.wait_indirect_dma semaphore(%arg19 : memref<!tpu.dma_semaphore, #tpu.memory_space<semaphore_mem>>) src(%dma_wait3A_416 : memref<4096x1024xf32, #tpu.memory_space<hbm>>) dst(%arg18 : memref<32x1024xf32, #tpu.memory_space<vmem>>)
      %mul3A_417 = arith.constant 256 : i32
      %mul3A_418 = arith.muli %arg1, %mul3A_417 : i32
      %add3A_419 = arith.constant 224 : i32
      %add3A_420 = arith.addi %mul3A_418, %add3A_419 : i32
      %dma_start3A_421 = arith.constant 0 : i32
      %dma_start3A_422 = tpu.memref_slice %arg6[%add3A_420, %dma_start3A_421] : memref<4096x1024xf32, #tpu.memory_space<hbm>> -> memref<32x1024xf32, #tpu.memory_space<hbm>>
      %dma_start3A_423 = arith.constant 0 : i32
      %dma_start3A_424 = tpu.memref_slice %arg6[%add3A_420, %dma_start3A_423] : memref<4096x1024xf32, #tpu.memory_space<hbm>> -> memref<32x1024xf32, #tpu.memory_space<hbm>>
      tpu.enqueue_dma source(%arg18 : memref<32x1024xf32, #tpu.memory_space<vmem>>) target(%dma_start3A_424 : memref<32x1024xf32, #tpu.memory_space<hbm>>) target_semaphore(%arg20 : memref<!tpu.dma_semaphore, #tpu.memory_space<semaphore_mem>>)
      %dma_wait3A_425 = arith.constant 0 : i32
      %dma_wait3A_426 = tpu.memref_slice %arg6[%add3A_420, %dma_wait3A_425] : memref<4096x1024xf32, #tpu.memory_space<hbm>> -> memref<32x1024xf32, #tpu.memory_space<hbm>>
      %dma_wait3A_427 = arith.constant 0 : i32
      %dma_wait3A_428 = tpu.memref_slice %arg6[%add3A_420, %dma_wait3A_427] : memref<4096x1024xf32, #tpu.memory_space<hbm>> -> memref<32x1024xf32, #tpu.memory_space<hbm>>
      tpu.wait_dma2 semaphore(%arg20 : memref<!tpu.dma_semaphore, #tpu.memory_space<semaphore_mem>>) src(%arg18 : memref<32x1024xf32, #tpu.memory_space<vmem>>) dst(%dma_wait3A_428 : memref<32x1024xf32, #tpu.memory_space<hbm>>)
    } else {
    }
    return
  }
}

module attributes {stable_mosaic.version = 14 : i64} {
  func.func @_shared_ffn_body(%arg0: i32, %arg1: memref<512x1024xf32, #tpu.memory_space<vmem>>, %arg2: memref<1024x2048xf32, #tpu.memory_space<vmem>>, %arg3: memref<1024x1024xf32, #tpu.memory_space<vmem>>, %arg4: memref<512x1024xf32, #tpu.memory_space<vmem>>) attributes {dimension_semantics = [#tpu.dimension_semantics<arbitrary>], iteration_bounds = array<i64: 8>, scalar_prefetch = 0 : i64, scratch_operands = 0 : i64, tpu.core_type = #tpu.core_type<tc>, window_params = [{transform_indices = @transform_0, window_bounds = array<i64: 512, 1024>}, {pipeline_mode = #tpu.pipeline_mode<synchronous>, transform_indices = @transform_1, window_bounds = array<i64: 1024, 2048>}, {pipeline_mode = #tpu.pipeline_mode<synchronous>, transform_indices = @transform_2, window_bounds = array<i64: 1024, 1024>}, {transform_indices = @transform_3, window_bounds = array<i64: 512, 1024>}]} {
    %get3A = arith.constant 0 : index
    %get3A_0 = arith.constant 0 : index
    %get3A_1 = vector.load %arg1[%get3A, %get3A_0] : memref<512x1024xf32, #tpu.memory_space<vmem>>, vector<512x1024xf32>
    %convert_element_type3A = arith.truncf %get3A_1 : vector<512x1024xf32> to vector<512x1024xbf16>
    %get3A_2 = arith.constant 0 : index
    %get3A_3 = arith.constant 0 : index
    %get3A_4 = vector.load %arg2[%get3A_2, %get3A_3] : memref<1024x2048xf32, #tpu.memory_space<vmem>>, vector<1024x2048xf32>
    %convert_element_type3A_5 = arith.truncf %get3A_4 : vector<1024x2048xf32> to vector<1024x2048xbf16>
    %dot_general3A = arith.constant dense<0.000000e+00> : vector<512x2048xf32>
    %dot_general3A_6 = tpu.matmul %convert_element_type3A, %convert_element_type3A_5, %dot_general3A {dimension_numbers = #tpu.dot_dimension_numbers<[1], [0], [0], [1], [0, 0, 1, 1], [], []>, transpose_lhs_hint = false} : vector<512x1024xbf16>, vector<1024x2048xbf16>, vector<512x2048xf32> -> vector<512x2048xf32>
    %slice3A = vector.extract_strided_slice %dot_general3A_6 {offsets = [0, 0], sizes = [512, 1024], strides = [1, 1]} : vector<512x2048xf32> to vector<512x1024xf32>
    %slice3A_7 = vector.extract_strided_slice %dot_general3A_6 {offsets = [0, 1024], sizes = [512, 1024], strides = [1, 1]} : vector<512x2048xf32> to vector<512x1024xf32>
    %logistic3A = arith.negf %slice3A_7 : vector<512x1024xf32>
    %logistic3A_8 = math.exp %logistic3A : vector<512x1024xf32>
    %logistic3A_9 = arith.constant 1.000000e+00 : f32
    %logistic3A_10 = vector.broadcast %logistic3A_9 : f32 to vector<512x1024xf32>
    %logistic3A_11 = arith.addf %logistic3A_10, %logistic3A_8 : vector<512x1024xf32>
    %logistic3A_12 = arith.divf %logistic3A_10, %logistic3A_11 : vector<512x1024xf32>
    %mul3A = arith.mulf %slice3A_7, %logistic3A_12 : vector<512x1024xf32>
    %mul3A_13 = arith.mulf %slice3A, %mul3A : vector<512x1024xf32>
    %convert_element_type3A_14 = arith.truncf %mul3A_13 : vector<512x1024xf32> to vector<512x1024xbf16>
    %get3A_15 = arith.constant 0 : index
    %get3A_16 = arith.constant 0 : index
    %get3A_17 = vector.load %arg3[%get3A_15, %get3A_16] : memref<1024x1024xf32, #tpu.memory_space<vmem>>, vector<1024x1024xf32>
    %convert_element_type3A_18 = arith.truncf %get3A_17 : vector<1024x1024xf32> to vector<1024x1024xbf16>
    %dot_general3A_19 = arith.constant dense<0.000000e+00> : vector<512x1024xf32>
    %dot_general3A_20 = tpu.matmul %convert_element_type3A_14, %convert_element_type3A_18, %dot_general3A_19 {dimension_numbers = #tpu.dot_dimension_numbers<[1], [0], [0], [1], [0, 0, 1, 1], [], []>, transpose_lhs_hint = false} : vector<512x1024xbf16>, vector<1024x1024xbf16>, vector<512x1024xf32> -> vector<512x1024xf32>
    %swap3A = arith.constant 0 : index
    %swap3A_21 = arith.constant 0 : index
    %swap3A_22 = vector.load %arg4[%swap3A, %swap3A_21] : memref<512x1024xf32, #tpu.memory_space<vmem>>, vector<512x1024xf32>
    tpu.vector_store %arg4[%swap3A, %swap3A_21], %dot_general3A_20 {strides = array<i32>} : memref<512x1024xf32, #tpu.memory_space<vmem>>, vector<512x1024xf32>,
    return
  }
  func.func @transform_0(%arg0: i32) -> (i32, i32) {
    %c0_i32 = arith.constant 0 : i32
    %c0_i32_0 = arith.constant 0 : i32
    return %arg0, %c0_i32 : i32, i32
  }
  func.func @transform_1(%arg0: i32) -> (i32, i32) {
    %c0_i32 = arith.constant 0 : i32
    %c0_i32_0 = arith.constant 0 : i32
    %c0_i32_1 = arith.constant 0 : i32
    return %c0_i32, %c0_i32_0 : i32, i32
  }
  func.func @transform_2(%arg0: i32) -> (i32, i32) {
    %c0_i32 = arith.constant 0 : i32
    %c0_i32_0 = arith.constant 0 : i32
    %c0_i32_1 = arith.constant 0 : i32
    return %c0_i32, %c0_i32_0 : i32, i32
  }
  func.func @transform_3(%arg0: i32) -> (i32, i32) {
    %c0_i32 = arith.constant 0 : i32
    %c0_i32_0 = arith.constant 0 : i32
    return %arg0, %c0_i32 : i32, i32
  }
}

module attributes {stable_mosaic.version = 14 : i64} {
  func.func @_expert_ffn_body(%arg0: i32, %arg1: memref<1x512x1024xf32, #tpu.memory_space<vmem>>, %arg2: memref<1x1024x2048xf32, #tpu.memory_space<vmem>>, %arg3: memref<1x1024x1024xf32, #tpu.memory_space<vmem>>, %arg4: memref<1x1x512xf32, #tpu.memory_space<vmem>>, %arg5: memref<1x512x1024xf32, #tpu.memory_space<vmem>>) attributes {dimension_semantics = [#tpu.dimension_semantics<arbitrary>], iteration_bounds = array<i64: 8>, scalar_prefetch = 0 : i64, scratch_operands = 0 : i64, tpu.core_type = #tpu.core_type<tc>, window_params = [{transform_indices = @transform_0, window_bounds = array<i64: 1, 512, 1024>}, {transform_indices = @transform_1, window_bounds = array<i64: 1, 1024, 2048>}, {transform_indices = @transform_2, window_bounds = array<i64: 1, 1024, 1024>}, {transform_indices = @transform_3, window_bounds = array<i64: 1, 1, 512>}, {transform_indices = @transform_4, window_bounds = array<i64: 1, 512, 1024>}]} {
    %get3A = arith.constant 0 : index
    %get3A_0 = arith.constant 0 : index
    %get3A_1 = arith.constant 0 : index
    %get3A_2 = vector.load %arg1[%get3A, %get3A_0, %get3A_1] : memref<1x512x1024xf32, #tpu.memory_space<vmem>>, vector<1x512x1024xf32>
    %get3A_3 = vector.shape_cast %get3A_2 : vector<1x512x1024xf32> to vector<512x1024xf32>
    %convert_element_type3A = arith.truncf %get3A_3 : vector<512x1024xf32> to vector<512x1024xbf16>
    %get3A_4 = arith.constant 0 : index
    %get3A_5 = arith.constant 0 : index
    %get3A_6 = arith.constant 0 : index
    %get3A_7 = vector.load %arg2[%get3A_4, %get3A_5, %get3A_6] : memref<1x1024x2048xf32, #tpu.memory_space<vmem>>, vector<1x1024x2048xf32>
    %get3A_8 = vector.shape_cast %get3A_7 : vector<1x1024x2048xf32> to vector<1024x2048xf32>
    %convert_element_type3A_9 = arith.truncf %get3A_8 : vector<1024x2048xf32> to vector<1024x2048xbf16>
    %dot_general3A = arith.constant dense<0.000000e+00> : vector<512x2048xf32>
    %dot_general3A_10 = tpu.matmul %convert_element_type3A, %convert_element_type3A_9, %dot_general3A {dimension_numbers = #tpu.dot_dimension_numbers<[1], [0], [0], [1], [0, 0, 1, 1], [], []>, transpose_lhs_hint = false} : vector<512x1024xbf16>, vector<1024x2048xbf16>, vector<512x2048xf32> -> vector<512x2048xf32>
    %slice3A = vector.extract_strided_slice %dot_general3A_10 {offsets = [0, 0], sizes = [512, 1024], strides = [1, 1]} : vector<512x2048xf32> to vector<512x1024xf32>
    %slice3A_11 = vector.extract_strided_slice %dot_general3A_10 {offsets = [0, 1024], sizes = [512, 1024], strides = [1, 1]} : vector<512x2048xf32> to vector<512x1024xf32>
    %logistic3A = arith.negf %slice3A_11 : vector<512x1024xf32>
    %logistic3A_12 = math.exp %logistic3A : vector<512x1024xf32>
    %logistic3A_13 = arith.constant 1.000000e+00 : f32
    %logistic3A_14 = vector.broadcast %logistic3A_13 : f32 to vector<512x1024xf32>
    %logistic3A_15 = arith.addf %logistic3A_14, %logistic3A_12 : vector<512x1024xf32>
    %logistic3A_16 = arith.divf %logistic3A_14, %logistic3A_15 : vector<512x1024xf32>
    %mul3A = arith.mulf %slice3A_11, %logistic3A_16 : vector<512x1024xf32>
    %mul3A_17 = arith.mulf %slice3A, %mul3A : vector<512x1024xf32>
    %convert_element_type3A_18 = arith.truncf %mul3A_17 : vector<512x1024xf32> to vector<512x1024xbf16>
    %get3A_19 = arith.constant 0 : index
    %get3A_20 = arith.constant 0 : index
    %get3A_21 = arith.constant 0 : index
    %get3A_22 = vector.load %arg3[%get3A_19, %get3A_20, %get3A_21] : memref<1x1024x1024xf32, #tpu.memory_space<vmem>>, vector<1x1024x1024xf32>
    %get3A_23 = vector.shape_cast %get3A_22 : vector<1x1024x1024xf32> to vector<1024x1024xf32>
    %convert_element_type3A_24 = arith.truncf %get3A_23 : vector<1024x1024xf32> to vector<1024x1024xbf16>
    %dot_general3A_25 = arith.constant dense<0.000000e+00> : vector<512x1024xf32>
    %dot_general3A_26 = tpu.matmul %convert_element_type3A_18, %convert_element_type3A_24, %dot_general3A_25 {dimension_numbers = #tpu.dot_dimension_numbers<[1], [0], [0], [1], [0, 0, 1, 1], [], []>, transpose_lhs_hint = false} : vector<512x1024xbf16>, vector<1024x1024xbf16>, vector<512x1024xf32> -> vector<512x1024xf32>
    %get3A_27 = arith.constant 0 : index
    %get3A_28 = arith.constant 0 : index
    %get3A_29 = arith.constant 0 : index
    %get3A_30 = vector.load %arg4[%get3A_27, %get3A_28, %get3A_29] : memref<1x1x512xf32, #tpu.memory_space<vmem>>, vector<1x1x512xf32>
    %get3A_31 = vector.shape_cast %get3A_30 : vector<1x1x512xf32> to vector<512xf32>
    %broadcast_in_dim3A = vector.shape_cast %get3A_31 : vector<512xf32> to vector<512x1xf32>
    %mul3A_32 = vector.broadcast %broadcast_in_dim3A : vector<512x1xf32> to vector<512x1024xf32>
    %mul3A_33 = arith.mulf %dot_general3A_26, %mul3A_32 : vector<512x1024xf32>
    %swap3A = arith.constant 0 : index
    %swap3A_34 = arith.constant 0 : index
    %swap3A_35 = arith.constant 0 : index
    %swap3A_36 = vector.load %arg5[%swap3A, %swap3A_34, %swap3A_35] : memref<1x512x1024xf32, #tpu.memory_space<vmem>>, vector<1x512x1024xf32>
    %swap3A_37 = vector.shape_cast %swap3A_36 : vector<1x512x1024xf32> to vector<512x1024xf32>
    %swap3A_38 = vector.shape_cast %mul3A_33 : vector<512x1024xf32> to vector<1x512x1024xf32>
    tpu.vector_store %arg5[%swap3A, %swap3A_34, %swap3A_35], %swap3A_38 {strides = array<i32>} : memref<1x512x1024xf32, #tpu.memory_space<vmem>>, vector<1x512x1024xf32>,
    return
  }
  func.func @transform_0(%arg0: i32) -> (i32, i32, i32) {
    %c0_i32 = arith.constant 0 : i32
    %c0_i32_0 = arith.constant 0 : i32
    %c0_i32_1 = arith.constant 0 : i32
    return %arg0, %c0_i32, %c0_i32_0 : i32, i32, i32
  }
  func.func @transform_1(%arg0: i32) -> (i32, i32, i32) {
    %c0_i32 = arith.constant 0 : i32
    %c0_i32_0 = arith.constant 0 : i32
    %c0_i32_1 = arith.constant 0 : i32
    return %arg0, %c0_i32, %c0_i32_0 : i32, i32, i32
  }
  func.func @transform_2(%arg0: i32) -> (i32, i32, i32) {
    %c0_i32 = arith.constant 0 : i32
    %c0_i32_0 = arith.constant 0 : i32
    %c0_i32_1 = arith.constant 0 : i32
    return %arg0, %c0_i32, %c0_i32_0 : i32, i32, i32
  }
  func.func @transform_3(%arg0: i32) -> (i32, i32, i32) {
    %c0_i32 = arith.constant 0 : i32
    %c0_i32_0 = arith.constant 0 : i32
    %c0_i32_1 = arith.constant 0 : i32
    return %arg0, %c0_i32, %c0_i32_0 : i32, i32, i32
  }
  func.func @transform_4(%arg0: i32) -> (i32, i32, i32) {
    %c0_i32 = arith.constant 0 : i32
    %c0_i32_0 = arith.constant 0 : i32
    %c0_i32_1 = arith.constant 0 : i32
    return %arg0, %c0_i32, %c0_i32_0 : i32, i32, i32
  }
}

module attributes {stable_mosaic.version = 14 : i64} {
  func.func @_scores_body(%arg0: i32, %arg1: i32, %arg2: memref<2x1024xf32, #tpu.memory_space<vmem>>, %arg3: memref<1x512x1024xf32, #tpu.memory_space<vmem>>, %arg4: memref<2048x8xf32, #tpu.memory_space<vmem>>, %arg5: memref<8x512xf32, #tpu.memory_space<vmem>>) attributes {dimension_semantics = [#tpu.dimension_semantics<arbitrary>, #tpu.dimension_semantics<arbitrary>], iteration_bounds = array<i64: 2, 4>, scalar_prefetch = 0 : i64, scratch_operands = 0 : i64, tpu.core_type = #tpu.core_type<tc>, window_params = [{pipeline_mode = #tpu.pipeline_mode<synchronous>, transform_indices = @transform_0, window_bounds = array<i64: 2, 1024>}, {transform_indices = @transform_1, window_bounds = array<i64: 1, 512, 1024>}, {pipeline_mode = #tpu.pipeline_mode<synchronous>, transform_indices = @transform_2, window_bounds = array<i64: 2048, 8>}, {transform_indices = @transform_3, window_bounds = array<i64: 8, 512>}]} {
    %get3A = arith.index_cast %arg0 : i32 to index
    %get3A_0 = arith.constant 0 : index
    %get3A_1 = vector.load %arg2[%get3A, %get3A_0] : memref<2x1024xf32, #tpu.memory_space<vmem>>, vector<1x1024xf32>
    %get3A_2 = arith.constant 0 : index
    %get3A_3 = arith.constant 0 : index
    %get3A_4 = arith.constant 0 : index
    %get3A_5 = vector.load %arg3[%get3A_2, %get3A_3, %get3A_4] : memref<1x512x1024xf32, #tpu.memory_space<vmem>>, vector<1x512x1024xf32>
    %get3A_6 = vector.shape_cast %get3A_5 : vector<1x512x1024xf32> to vector<512x1024xf32>
    %get3A_7 = arith.constant 0 : index
    %get3A_8 = arith.constant 0 : index
    %get3A_9 = vector.load %arg4[%get3A_7, %get3A_8] : memref<2048x8xf32, #tpu.memory_space<vmem>>, vector<1024x8xf32>
    %dot_general3A = arith.constant dense<0.000000e+00> : vector<8x1xf32>
    %dot_general3A_10 = tpu.matmul %get3A_9, %get3A_1, %dot_general3A {dimension_numbers = #tpu.dot_dimension_numbers<[0], [1], [1], [0], [0, 1, 1, 0], [], []>, transpose_lhs_hint = false} : vector<1024x8xf32>, vector<1x1024xf32>, vector<8x1xf32> -> vector<8x1xf32>
    %get3A_11 = arith.constant 1024 : index
    %get3A_12 = arith.constant 0 : index
    %get3A_13 = vector.load %arg4[%get3A_11, %get3A_12] : memref<2048x8xf32, #tpu.memory_space<vmem>>, vector<1024x8xf32>
    %dot_general3A_14 = arith.constant dense<0.000000e+00> : vector<8x512xf32>
    %dot_general3A_15 = tpu.matmul %get3A_13, %get3A_6, %dot_general3A_14 {dimension_numbers = #tpu.dot_dimension_numbers<[0], [1], [1], [0], [0, 1, 1, 0], [], []>, transpose_lhs_hint = false} : vector<1024x8xf32>, vector<512x1024xf32>, vector<8x512xf32> -> vector<8x512xf32>
    %add3A = vector.broadcast %dot_general3A_10 : vector<8x1xf32> to vector<8x512xf32>
    %add3A_16 = arith.addf %add3A, %dot_general3A_15 : vector<8x512xf32>
    %logistic3A = arith.negf %add3A_16 : vector<8x512xf32>
    %logistic3A_17 = math.exp %logistic3A : vector<8x512xf32>
    %logistic3A_18 = arith.constant 1.000000e+00 : f32
    %logistic3A_19 = vector.broadcast %logistic3A_18 : f32 to vector<8x512xf32>
    %logistic3A_20 = arith.addf %logistic3A_19, %logistic3A_17 : vector<8x512xf32>
    %logistic3A_21 = arith.divf %logistic3A_19, %logistic3A_20 : vector<8x512xf32>
    %swap3A = arith.constant 0 : index
    %swap3A_22 = arith.constant 0 : index
    %swap3A_23 = vector.load %arg5[%swap3A, %swap3A_22] : memref<8x512xf32, #tpu.memory_space<vmem>>, vector<8x512xf32>
    tpu.vector_store %arg5[%swap3A, %swap3A_22], %logistic3A_21 {strides = array<i32>} : memref<8x512xf32, #tpu.memory_space<vmem>>, vector<8x512xf32>,
    return
  }
  func.func @transform_0(%arg0: i32, %arg1: i32) -> (i32, i32) {
    %c0_i32 = arith.constant 0 : i32
    %c0_i32_0 = arith.constant 0 : i32
    %c0_i32_1 = arith.constant 0 : i32
    return %c0_i32, %c0_i32_0 : i32, i32
  }
  func.func @transform_1(%arg0: i32, %arg1: i32) -> (i32, i32, i32) {
    %c0_i32 = arith.constant 0 : i32
    %c0_i32_0 = arith.constant 0 : i32
    return %arg0, %arg1, %c0_i32 : i32, i32, i32
  }
  func.func @transform_2(%arg0: i32, %arg1: i32) -> (i32, i32) {
    %c0_i32 = arith.constant 0 : i32
    %c0_i32_0 = arith.constant 0 : i32
    %c0_i32_1 = arith.constant 0 : i32
    return %c0_i32, %c0_i32_0 : i32, i32
  }
  func.func @transform_3(%arg0: i32, %arg1: i32) -> (i32, i32) {
    %mul3A = arith.constant 4 : i32
    %mul3A_0 = arith.muli %arg0, %mul3A : i32
    %add3A = arith.addi %mul3A_0, %arg1 : i32
    %c0_i32 = arith.constant 0 : i32
    %c0_i32_1 = arith.constant 0 : i32
    return %c0_i32, %add3A : i32, i32
  }
}

</mosaic_0001>

<sc_bundles>
// kernel: kernel.6.cloned.1.call-start
scs
__scs_entry_jumppad:
0x0: {  	(pc) =	sbr.rel $0x88, $3  }
0x1: {  	(tag) =	ssettag $0x0;
	lr =	simm.s32 $0x1  }
0x2: {  	[smem:$0x3F99] =	sst lr;
	_ =	strace $0xD0000000  }
0x3: {  	_ = 	snop  }
0x4: {  	_ = 	snop  }
0x5: {  	_ = 	snop  }
0x6: {  	_ = 	snop  }
0x7: {  	_ = 	snop  }
__scs_overlays_trampoline_lowered:
0x8: {  	[smem:$0x3FA8] =	sst s0  }
0x9: {  	[smem:$0x3FA9] =	sst s1  }
0xa: {  	[smem:$0x3FAA] =	sst s2  }
0xb: {  	[smem:$0x3FAB] =	sst s3  }
0xc: {  	[smem:$0x3FAC] =	sst s4  }
0xd: {  	[smem:$0x3FAD] =	sst s5  }
0xe: {  	[smem:$0x3FAE] =	sst s6  }
0xf: {  	[smem:$0x3FAF] =	sst s7  }
0x10: {  	[smem:$0x3FB0] =	sst s8  }
0x11: {  	[smem:$0x3FB1] =	sst s9;
	s0 =	simm.s32 @!p0 $0x0  }
0x12: {  	s1 =	sld [smem:$0x3F97];
	s0 =	simm.s32 @p0 $0x1  }
0x13: {  	[smem:$0x3FB2] =	sst s0;
	s0 =	simm.s32 @!p1 $0x0  }
0x14: {  	s2 =	sld [smem:$0x3F96];
	s0 =	simm.s32 @p1 $0x1  }
0x15: {  	[smem:$0x3FB3] =	sst s0;
	s0 =	simm.s32 @!p2 $0x0  }
0x16: {  	s3 =	sld [smem:$0x3FDB];
	s0 =	simm.s32 @p2 $0x1  }
0x17: {  	s4 =	simm.s32 $0x1BF5;
	[smem:$0x3FB5] =	sst s0  }
0x18: {  	s0 =	sld [smem:$0x3F98];
	_ =	swait.ge [sflag:s4], $0x0  }
0x19: {  	s7 =	sld [smem:$0x3F99]  }
0x1a: {  	s8 =	sadd.s32 $0xFFFFE003, lr  }
0x1b: {  	s9 =	sadd.s32 $0xFFFFFEF7, lr;
	s5 =	simm.s32 $0xFFFFFFFF;
	p2 =	slt.u32 s8, $0xFFFFF086  }
0x1c: {  	p1 =	slt.u32 s9, $0xF7A;
	s5 =	simm.s32 @!p2 $0x0  }
0x1d: {  	s5 =	simm.s32 @p1 $0x1;
	p0 =	seq.s32 s7, s2  }
0x1e: {  	s7 =	smul.u32 @!p0 $0xF7A, s2;
	p2 =	seq.s32 @!p0 s5, $0x0  }
0x1f: {  	s9 =	smul.u32 $0xF7A, s1;
	s8 =	simm.s32 @!p0 $0x1BF5;
	p2 =	por !p2, p0  }
0x20: {  	[sflag:s8] =	ssyncset.s32 @!p0 $0xFFFFF086;
	s6 =	sadd.s32 @!p0 s3, s7;
	s7 =	simm.s32 @!p0 $0x108  }
0x21: {  	s3 =	sadd.s32 s3, s9;
	s6 =	sadd.s32 @!p0 $0x88, s6;
	s7 =	simm.s32 @p2 $0x1082  }
0x22: {  	[simem:s7], [sflag:s8] =	dma.local @!p0 [hbm:s6], $0xF7A  }
0x23: {  	s9 =	sor.u32 $0xD0000000, s2;
	s6 =	simm.s32 $0x108;
	_ =	swait.ge @!p0 [sflag:s8], $0x0  }
0x24: {  	s3 =	sadd.s32 $0x88, s3;
	s6 =	simm.s32 @!p1 $0x1082;
	[sflag:s4] =	ssyncset.s32 $0xFFFFF086  }
0x25: {  	[simem:s6], [sflag:s4] =	dma.local [hbm:s3], $0xF7A  }
0x26: {  	[smem:$0x3F99] =	sst s1;
	(tag) =	ssettag s2;
	_ =	strace s9  }
0x27: {  	s1 =	sld [smem:$0x3FA9]  }
0x28: {  	s2 =	sld [smem:$0x3FAA]  }
0x29: {  	s4 =	sld [smem:$0x3FAC]  }
0x2a: {  	p0 =	seq.s32 s5, $0x0;
	s5 =	sld [smem:$0x3FAD]  }
0x2b: {  	s6 =	sld [smem:$0x3FAE]  }
0x2c: {  	s7 =	sld [smem:$0x3FAF]  }
0x2d: {  	s3 =	simm.s32 $0x108;
	s8 =	sld [smem:$0x3FB0]  }
0x2e: {  	s3 =	simm.s32 @!p0 $0x1082;
	s9 =	sld [smem:$0x3FB1]  }
0x2f: {  	lr =	sadd.s32 s0, s3;
	s0 =	sld [smem:$0x3FA8]  }
0x30: {  	s3 =	sld [smem:$0x3FAB]  }
0x31: {  	[smem:$0x3FB4] =	sst s10  }
0x32: {  	s10 =	sld [smem:$0x3FB2];
	_ =	sdelay $0x3  }
0x33: {  	p0 =	seq.s32 s10, $0x1;
	s10 =	sld [smem:$0x3FB4];
	_ =	sdelay $0x3  }
0x34: {  	[smem:$0x3FB4] =	sst s10  }
0x35: {  	s10 =	sld [smem:$0x3FB3];
	_ =	sdelay $0x3  }
0x36: {  	p1 =	seq.s32 s10, $0x1;
	s10 =	sld [smem:$0x3FB4];
	_ =	sdelay $0x3  }
0x37: {  	[smem:$0x3FB4] =	sst s10  }
0x38: {  	s10 =	sld [smem:$0x3FB5]  }
0x39: {  	_ = 	snop;
	(pc) =	sbr.ind lr, $3  }
0x3a: {  	_ = 	snop  }
0x3b: {  	_ = 	snop  }
0x3c: {  	p2 =	seq.s32 s10, $0x1;
	s10 =	sld [smem:$0x3FB4]  }
0x3d: {  	_ =	shalt  }
0x3e: {  	_ =	shalt  }
0x3f: {  	_ =	shalt  }
0x40: {  	_ =	shalt  }
0x41: {  	_ =	shalt  }
0x42: {  	_ =	shalt  }
0x43: {  	_ =	shalt  }
0x44: {  	_ =	shalt  }
0x45: {  	_ =	shalt  }
0x46: {  	_ =	shalt  }
0x47: {  	_ =	shalt  }
0x48: {  	_ =	shalt  }
0x49: {  	_ =	shalt  }
0x4a: {  	_ =	shalt  }
0x4b: {  	_ =	shalt  }
0x4c: {  	_ =	shalt  }
0x4d: {  	_ =	shalt  }
0x4e: {  	_ =	shalt  }
0x4f: {  	_ =	shalt  }
0x50: {  	_ =	shalt  }
0x51: {  	_ =	shalt  }
0x52: {  	_ =	shalt  }
0x53: {  	_ =	shalt  }
0x54: {  	_ =	shalt  }
0x55: {  	_ =	shalt  }
0x56: {  	_ =	shalt  }
0x57: {  	_ =	shalt  }
0x58: {  	_ =	shalt  }
0x59: {  	_ =	shalt  }
0x5a: {  	_ =	shalt  }
0x5b: {  	_ =	shalt  }
0x5c: {  	_ =	shalt  }
0x5d: {  	_ =	shalt  }
0x5e: {  	_ =	shalt  }
0x5f: {  	_ =	shalt  }
0x60: {  	_ =	shalt  }
0x61: {  	_ =	shalt  }
0x62: {  	_ =	shalt  }
0x63: {  	_ =	shalt  }
0x64: {  	_ =	shalt  }
0x65: {  	_ =	shalt  }
0x66: {  	_ =	shalt  }
0x67: {  	_ =	shalt  }
0x68: {  	_ =	shalt  }
0x69: {  	_ =	shalt  }
0x6a: {  	_ =	shalt  }
0x6b: {  	_ =	shalt  }
0x6c: {  	_ =	shalt  }
0x6d: {  	_ =	shalt  }
0x6e: {  	_ =	shalt  }
0x6f: {  	_ =	shalt  }
0x70: {  	_ =	shalt  }
0x71: {  	_ =	shalt  }
0x72: {  	_ =	shalt  }
0x73: {  	_ =	shalt  }
0x74: {  	_ =	shalt  }
0x75: {  	_ =	shalt  }
0x76: {  	_ =	shalt  }
0x77: {  	_ =	shalt  }
0x78: {  	_ =	shalt  }
0x79: {  	_ =	shalt  }
0x7a: {  	_ =	shalt  }
0x7b: {  	_ =	shalt  }
0x7c: {  	_ =	shalt  }
0x7d: {  	_ =	shalt  }
0x7e: {  	_ =	shalt  }
0x7f: {  	_ =	shalt  }
0x80: {  	_ =	shalt  }
0x81: {  	_ =	shalt  }
0x82: {  	_ =	shalt  }
0x83: {  	_ =	shalt  }
0x84: {  	_ =	shalt  }
0x85: {  	_ =	shalt  }
0x86: {  	_ =	shalt  }
0x87: {  	_ =	shalt  }
.Lfunc_end0:
.L_simem_size_0:
called_computation_lowered:
.L_overlay_start_0:
0x88: {  	s2 =	sld [smem:$0x3FD9]  }
0x89: {  	s3 =	sld [smem:$0x3FFE];
	_ =	sdelay $0x1  }
0x8a: {  	s1 =	srdreg.scid  }
0x8b: {  	s0 =	sand.u32 $0x1, s1  }
0x8c: {  	s17 =	sshll.u32 s0, $0xA;
	s2 =	sadd.s32 s3, s2  }
0x8d: {  	s2 =	sadd.s32 s2, s17  }
0x8e: {  	[smem:$0x3FC0] =	sst s2  }
0x8f: {  	_ = 	snop  }
0x90: {  	s2 =	sld [smem:$0x3FC9];
	(tm) =	ssettm $0x1  }
0x91: {  	s18 =	sld [smem:$0x3FFB];
	_ =	sdelay $0x3  }
0x92: {  	_ =	strace s18  }
0x93: {  	s3 =	sld [smem:$0x3FFC];
	_ =	sdelay $0x3  }
0x94: {  	_ =	strace s3  }
0x95: {  	s3 =	sld [smem:$0x3FFD];
	_ =	sdelay $0x3  }
0x96: {  	_ =	strace s3  }
0x97: {  	_ =	strace $0x8FFFFFFF  }
0x98: {  	s19 =	sld [smem:$0x3FDB];
	_ =	sdelay $0x1  }
0x99: {  	s4 =	simm.s32 $_scs_section_size  }
0x9a: {  	s5 =	simm.s32 $_size__tile_overlayer_lowered;
	s6 =	simm.s32 $_tile_overlayer_lowered  }
0x9b: {  	s22 =	simm.s32 $0x1BFF;
	s21 =	sshll.u32 s6, $0x1;
	s3 =	sadd.s32 s4, s19  }
0x9c: {  	s7 =	simm.s32 $0x0;
	s20 =	sshll.u32 s5, $0x1;
	s5 =	sadd.s32 s21, s3  }
0x9d: {  	[timem:s7], [sflag:s22] =	dma.local [hbm:s5], s20  }
0x9e: {  	_ =	swait.ge [sflag:s22], s20  }
0x9f: {  	s4 =	ssub.s32 $0x0, s20;
	[sflag:s22] =	ssyncset.done $0x0  }
0xa0: {  	[sflag:s22] =	ssyncadd.s32 s4;
	_ =	sdelay $0x1  }
0xa1: {  	s23 =	simm.s32 $0x1B8B  }
0xa2: {  	_ =	swait.ge [sflag:s23], $0x1  }
0xa3: {  	[sflag:s23] =	ssyncset.done $0x0  }
0xa4: {  	s25 =	simm.s32 $0x1B8E;
	s24 =	sld [smem:$0x3FFE];
	[sflag:s23] =	ssyncadd.s32 $0xFFFFFFFF  }
0xa5: {  	s26 =	simm.s32 $execute0_lowered;
	[smem:$0x3FD2] =	sst s25  }
0xa6: {  	s5 =	sshll.u32 s26, $0x1;
	_ =	strace $0x80000046;
	[dreg:$0x1] =	wrdreg $0xFFFFFFFF  }
0xa7: {  	s28 =	simm.s32 $_size_execute0_lowered;
	s3 =	sadd.s32 s3, s5;
	[dreg:$0x0] =	wrdreg $0x0  }
0xa8: {  	s5 =	sshll.u32 s28, $0x1;
	[dreg:$0x2] =	wrdreg s3  }
0xa9: {  	[dreg:$0x3] =	wrdreg s5  }
0xaa: {  	[dreg:$0x4] =	wrdreg $0xC0  }
0xab: {  	_ =	task [dreg:s7], $0x5FFFF  }
0xac: {  	[dreg:$0x1] =	wrdreg $0xFFFFFFFF  }
0xad: {  	[dreg:$0x0] =	wrdreg $0x60  }
0xae: {  	[dreg:$0x2] =	wrdreg s24  }
0xaf: {  	[dreg:$0x3] =	wrdreg s2  }
0xb0: {  	[dreg:$0x4] =	wrdreg $0x24000  }
0xb1: {  	[dreg:$0x5] =	wrdreg $0x9  }
0xb2: {  	_ =	task.clear_ibuf [dreg:s7], $0x6FFFF;
	_ =	strace $0x90000046  }
0xb3: {  	s29 =	simm.s32 $0x9;
	_ =	strace $0x80000048  }
0xb4: {  	_ =	swait.ge [sflag:s29], $0x1  }
0xb5: {  	[sflag:s29] =	ssyncadd.s32 $0xFFFFFFFF  }
0xb6: {  	_ =	strace $0x90000048  }
0xb7: {  	_ =	sfence  }
0xb8: {  	s30 =	sld [smem:$0x0];
	_ =	sdelay $0x2  }
0xb9: {  	s31 =	sshll.u32 s1, $0xD;
	s1 =	sshrl.u32 s1, $0x2  }
0xba: {  	s3 =	sand.u32 $0x4000, s31;
	s1 =	sadd.s32 s1, s30  }
0xbb: {  	s0 =	sor.u32 s3, s0;
	s1 =	sshll.u32 s1, $0x11  }
0xbc: {  	s0 =	sor.u32 s1, s0  }
0xbd: {  	s0 =	sadd.s32 $0x8F2B, s0  }
0xbe: {  	[sflag:s0] =	ssyncadd.remote.s32 $0x1  }
0xbf: {  	_ =	sfence.sel $0xFFFF  }
0xc0: {  	[dreg:$0x0] =	wrdreg $0xFFFFFFFF;
	(pc) =	sbr.abs _section_cstart, $3  }
0xc1: {  	[dreg:$0x1] =	wrdreg $0xFFFFFFFF  }
0xc2: {  	_ =	task.clear_ibuf [dreg:s7], $0x2FFFF;
	_ =	strace $0x9FFFFFFF  }
0xc3: {  	(tm) =	ssettm $0x7FFFFFFF  }
tec
execute0_lowered:
.L_overlay_start_1:
0x0: {  	(tag) =	ssettag $0x1  }
0x1: {  	s0 =	rddreg [dreg:$0x0]  }
0x2: {  	s1 =	rddreg [dreg:$0x1]  }
0x3: {  	s11 =	rddreg [dreg:$0x2];
	s4 =	simm.s32 $0x0  }
0x4: {  	s10 =	stileid.u32;
	s2 =	srdreg.scid;
	s28 =	simm.s32 $0x3  }
0x5: {  	s17 =	simm.s32 $0x1;
	s12 =	simm.s32 $0x2;
	s13 =	simm.s32 $0x0  }
0x6: {  	[smem:$0x7FF] =	sst s4;
	s3 =	sshll.u32 s10, $0x8;
	s2 =	sand.u32 $0x1, s2  }
0x7: {  	s6 =	sshll.u32 s10, $0x5;
	s8 =	sshll.u32 s10, $0xF;
	s18 =	sshll.u32 s10, $0xB  }
0x8: {  	_ =	strace $0x80000047;
	s5 =	sadd.s32 s3, s0;
	s14 =	sadd.s32 s3, s11  }
0x9: {  	s6 =	sadd.s32 s6, s0;
	s19 =	sadd.s32 $0x1400, s5;
	[dreg:$0x10] =	wrdreg s14  }
0xa: {  	s10 =	sadd.s32 $0x200, s1;
	s21 =	sadd.s32 $0x2400, s6;
	[dreg:$0x4] =	wrdreg s19  }
0xb: {  	s0 =	sadd.s32 s8, s0;
	s22 =	sadd.s32 $0x2600, s6;
	[dreg:$0x5] =	wrdreg s21  }
0xc: {  	s7 =	ssub.s32 $0x2, s2;
	s23 =	sadd.s32 $0x2800, s0;
	[dreg:$0x6] =	wrdreg s22  }
0xd: {  	s20 =	sand.u32 $0x800, s18;
	s24 =	sadd.s32 $0x3800, s0;
	[dreg:$0x7] =	wrdreg s23  }
0xe: {  	s11 =	sadd.s32 $0x300, s1;
	s25 =	sadd.s32 $0x4800, s0;
	[dreg:$0x8] =	wrdreg s24  }
0xf: {  	p0 =	sne.s32 s2, $0x0;
	s26 =	sadd.s32 $0x5800, s0;
	[dreg:$0x9] =	wrdreg s25  }
0x10: {  	s18 =	simm.s32 $0x2500;
	s29 =	sadd.s32 $0x6800, s0;
	[dreg:$0xa] =	wrdreg s26  }
.Ltmp0:
0x11: {  	s30 =	sadd.s32 $0x7800, s0;
	[dreg:$0xb] =	wrdreg s29;
	(pc) =	sbr.rel .LBB2_1-.Ltmp0, $4  }
0x12: {  	s9 =	sshrl.u32 s7, $0x1;
	s31 =	sadd.s32 $0x8800, s0;
	[dreg:$0xc] =	wrdreg s30  }
0x13: {  	v1 =	vimm.f32 $0.0e+00;
	v2 =	vlaneseq.u32;
	v3 =	vimm.s32 $0x0;
	s0 =	sadd.s32 $0x9800, s0;
	s7 =	ssub.s32 s7, s9;
	[dreg:$0xd] =	wrdreg s31  }
0x14: {  	vm0 =	vmmov $0xffff;
	v5 =	vshrl.u32 v2, $0x3;
	v4 =	vand.u32 $0x7, v2;
	s9 =	sadd.s32 $0x100, s1;
	[dreg:$0xe] =	wrdreg s0;
	s5 =	smax.u32 s7, $0x1  }
0x15: {  	v6 =	vor.u32 $0x8, v2;
	v5 =	vmul.u32 $0x8, v5;
	v0 =	vmov s20;
	s0 =	simm.s32 $0x1200;
	s23 =	simm.s32 $0x800;
	[dreg:$0xf] =	wrdreg s5  }
.LBB2_13:
0x16: {  	[bflag:$0x0] =	sbarrier.arrive $0xFFFF  }
0x17: {  	[bflag:$0x0] =	sbarrier.arrive $0xFFFF  }
.LBB2_11:
0x18: {  	s13 =	sadd.s32 $0x1, s13  }
0x19: {  	p1 =	sne.s32 s13, s5  }
.Ltmp1:
0x1a: {  	_ = 	snop;
	(pc) =	sbr.rel @!p1 .LBB2_12-.Ltmp1, $1  }
0x1b: {  	_ =	sdelay $0x3  }
.LBB2_1:
0x1c: {  	[tilespmem:$0x1200] =	vst v1  }
0x1d: {  	[tilespmem:$0x1210] =	vst v1  }
0x1e: {  	[tilespmem:$0x1220] =	vst v1  }
0x1f: {  	[tilespmem:$0x1230] =	vst v1  }
0x20: {  	[tilespmem:$0x1240] =	vst v1  }
0x21: {  	[tilespmem:$0x1250] =	vst v1  }
0x22: {  	[tilespmem:$0x1260] =	vst v1  }
0x23: {  	[tilespmem:$0x1270] =	vst v1  }
0x24: {  	[tilespmem:$0x1280] =	vst v1  }
0x25: {  	[tilespmem:$0x1290] =	vst v1  }
0x26: {  	[tilespmem:$0x12A0] =	vst v1  }
0x27: {  	[tilespmem:$0x12B0] =	vst v1  }
0x28: {  	[tilespmem:$0x12C0] =	vst v1  }
0x29: {  	[tilespmem:$0x12D0] =	vst v1  }
0x2a: {  	[tilespmem:$0x12E0] =	vst v1  }
0x2b: {  	[tilespmem:$0x12F0] =	vst v1  }
0x2c: {  	[spmem:s14] =	stream.linear.scatter [tilespmem:s0], [sflag:$0x3], $0x100, $0x38;
	[tilespmem:$0x12500] =	vst v63  }
.Ltmp2:
0x2d: {  	_ =	swait.ge [sflag:s28], $0x100;
	(pc) =	sbr.rel @p0 .LBB2_13-.Ltmp2, $3  }
0x2e: {  	[sflag:s28] =	ssyncset.done $0x0  }
0x2f: {  	[sflag:s28] =	ssyncadd.s32 $0xFFFFFF00  }
0x30: {  	[bflag:$0x0] =	sbarrier.arrive $0xFFFF;
	_ =	sdelay $0x1  }
0x31: {  	s15 =	simm.s32 $0x0;
	s3 =	rddreg [dreg:$0x4]  }
0x32: {  	[tilespmem:s15], [sflag:$0x3] =	stream.linear.gather [hbm4b:s3+s15], $0x800, $0x38;
	[tilespmem:$0x12500] =	vst v63  }
0x33: {  	_ =	swait.ge [sflag:s28], $0x800  }
0x34: {  	[sflag:s28] =	ssyncset.done $0x0  }
0x35: {  	s14 =	simm.s32 $0x0;
	s3 =	simm.s32 $0x3F800000;
	[sflag:s28] =	ssyncadd.s32 $0xFFFFF800  }
.LBB2_3:
0x36: {  	s16 =	sadd.s32 s3, s15  }
0x37: {  	s16 =	sadd.s32 $0x1, s16  }
0x38: {  	s19 =	sshrl.u32 s16, $0x1F  }
0x39: {  	s16 =	sadd.s32 s19, s16  }
0x3a: {  	s21 =	simm.s32 $0x0;
	s16 =	sshra.s32 s16, $0x1  }
0x3b: {  	v9 =	vld [tilespmem:s21+$0x0];
	v7 =	vmov s16  }
0x3c: {  	s19 =	simm.s32 $0x40;
	v8 =	vbroadcast v7, $0x0;
	v7 =	vimm.s32 $0x0  }
.LBB2_4:
0x3d: {  	p1 =	sne.s32 s19, $0x1FC0  }
.Ltmp3:
0x3e: {  	_ = 	snop;
	(pc) =	sbr.rel @p1 .LBB2_4-.Ltmp3, $4  }
0x3f: {  	_ = 	snop  }
0x40: {  	s21 =	sshra.s32 s19, $0x2;
	s19 =	sadd.s32 $0x40, s19;
	vm1 =	vge.f32 v9, v8  }
0x41: {  	v9 =	vld [tilespmem:s21+$0x0];
	v10 =	vsel vm1, $0x1, v3  }
0x42: {  	v7 =	vadd.s32 v10, v7  }
0x43: {  	_ =	sdelay $0x2  }
0x44: {  	vm1 =	vge.f32 v9, v8  }
0x45: {  	v8 =	vsel vm1, $0x1, v3  }
0x46: {  	v7 =	vadd.s32 v8, v7  }
0x47: {  	(xrf0) =	vadd.scan.msk.s32 $0xffff, v7;
	_ =	sdelay $0x5  }
0x48: {  	v7, _, _ =	vpop (xrf0)  }
0x49: {  	(v2sf) =	vpush v7, $0xF;
	_ =	sdelay $0xb  }
0x4a: {  	s14 =	sadd.s32 $0x1, s14  }
0x4b: {  	p2 =	sne.s32 s14, $0x1F  }
.Ltmp4:
0x4c: {  	_ = 	snop;
	(pc) =	sbr.rel @p2 .LBB2_3-.Ltmp4, $4  }
0x4d: {  	s19 =	spop (v2sf)  }
0x4e: {  	p1 =	sgt.s32 s19, $0xFF;
	s19 =	sadd.s32 $0xFFFFFFFF, s16  }
0x4f: {  	s19 =	smov.u32 @p1 s3  }
0x50: {  	s15 =	smov.u32 @p1 s16;
	s3 =	smov.u32 s19  }
0x51: {  	s14 =	simm.s32 $0x0  }
0x52: {  	v8 =	vld [tilespmem:s14+$0x0];
	_ =	sdelay $0x1  }
0x53: {  	v7 =	vmov s15  }
0x54: {  	v7 =	vbroadcast v7, $0x0;
	_ =	sdelay $0x1  }
0x55: {  	vm1 =	vgt.f32 v8, v7  }
0x56: {  	v8 =	vsel vm1, $0x1, v3  }
0x57: {  	(xrf0) =	vadd.scan.msk.s32 $0xffff, v8;
	_ =	sdelay $0x3  }
0x58: {  	v8 =	vmov s14  }
0x59: {  	v8 =	vadd.s32 $0xFFFFFFFF, v8  }
0x5a: {  	v8 =	vbroadcast v8, $0x0;
	v9, _, _ =	vpop (xrf0)  }
0x5b: {  	(v2sf) =	vpush v9, $0xF  }
0x5c: {  	v10 =	vadd.s32 v9, v8;
	_ =	sdelay $0x3  }
0x5d: {  	v8 =	vor.u32 s14, v2  }
0x5e: {  	s15 =	simm.s32 $0x10;
	[tilespmem:v10+s23+$0x0] =	vst.idx.msk vm1, v8  }
0x5f: {  	s19 =	simm.s32 $0x20;
	s16 =	simm.s32 $0x0;
	s3 =	simm.s32 $0x10;
	v9 =	vld [tilespmem:s15+$0x0]  }
.LBB2_7:
0x60: {  	p1 =	sne.s32 s19, $0x7F0;
	_ =	sdelay $0x3  }
0x61: {  	vm1 =	vgt.f32 v9, v7  }
0x62: {  	v9 =	vsel vm1, $0x1, v3  }
0x63: {  	(xrf0) =	vadd.scan.msk.s32 $0xffff, v9  }
0x64: {  	s21 =	spop (v2sf)  }
0x65: {  	s16 =	sadd.s32 s16, s21  }
0x66: {  	v9 =	vmov s16  }
0x67: {  	v9 =	vadd.s32 $0xFFFFFFFF, v9  }
0x68: {  	v9 =	vbroadcast v9, $0x0  }
0x69: {  	v10, _, _ =	vpop (xrf0)  }
0x6a: {  	v9 =	vadd.s32 v10, v9;
	(v2sf) =	vpush v10, $0xF;
	_ =	sdelay $0x2  }
.Ltmp5:
0x6b: {  	(pc) =	sbr.rel @p1 .LBB2_7-.Ltmp5, $4  }
0x6c: {  	v10 =	vor.u32 s15, v2;
	s15 =	smov.u32 s19  }
0x6d: {  	[tilespmem:v9+s23+$0x0] =	vst.idx.msk vm1, v10  }
0x6e: {  	s3 =	sadd.s32 $0x10, s3  }
0x6f: {  	s19 =	sadd.s32 $0x10, s19;
	v9 =	vld [tilespmem:s3+$0x0]  }
0x70: {  	_ =	sdelay $0x3  }
0x71: {  	vm1 =	vgt.f32 v9, v7  }
0x72: {  	v9 =	vsel vm1, $0x1, v3  }
0x73: {  	(xrf0) =	vadd.scan.msk.s32 $0xffff, v9  }
0x74: {  	s3 =	spop (v2sf)  }
0x75: {  	s3 =	sadd.s32 s16, s3  }
0x76: {  	v9 =	vmov s3  }
0x77: {  	v9 =	vadd.s32 $0xFFFFFFFF, v9  }
0x78: {  	v9 =	vbroadcast v9, $0x0  }
0x79: {  	v10, _, _ =	vpop (xrf0)  }
0x7a: {  	(v2sf) =	vpush v10, $0xF;
	v9 =	vadd.s32 v10, v9;
	_ =	sdelay $0x3  }
0x7b: {  	v10 =	vor.u32 s15, v2  }
0x7c: {  	[tilespmem:v9+s23+$0x0] =	vst.idx.msk vm1, v10  }
0x7d: {  	v9 =	vld [tilespmem:s14+$0x0];
	_ =	sdelay $0x4  }
0x7e: {  	vm1 =	veq.f32 v9, v7  }
0x7f: {  	v9 =	vsel vm1, $0x1, v3  }
0x80: {  	(xrf0) =	vadd.scan.msk.s32 $0xffff, v9;
	_ =	sdelay $0x1  }
0x81: {  	s31 =	spop (v2sf)  }
0x82: {  	s14 =	sadd.s32 s3, s31  }
0x83: {  	v9 =	vmov s14  }
0x84: {  	v9 =	vadd.s32 $0xFFFFFFFF, v9  }
0x85: {  	v9 =	vbroadcast v9, $0x0;
	v10, _, _ =	vpop (xrf0)  }
0x86: {  	(v2sf) =	vpush v10, $0xF  }
0x87: {  	v9 =	vadd.s32 v10, v9;
	_ =	sdelay $0x4  }
0x88: {  	s15 =	simm.s32 $0x10;
	[tilespmem:v9+s23+$0x0] =	vst.idx.msk vm1, v8  }
0x89: {  	s16 =	simm.s32 $0x20;
	s3 =	simm.s32 $0x10;
	v8 =	vld [tilespmem:s15+$0x0]  }
.LBB2_9:
0x8a: {  	p1 =	seq.s32 s16, $0x7F0;
	_ =	sdelay $0x3  }
0x8b: {  	vm1 =	veq.f32 v8, v7  }
0x8c: {  	v8 =	vsel vm1, $0x1, v3  }
0x8d: {  	(xrf0) =	vadd.scan.msk.s32 $0xffff, v8  }
0x8e: {  	s19 =	spop (v2sf)  }
0x8f: {  	s14 =	sadd.s32 s14, s19  }
0x90: {  	v8 =	vmov s14  }
0x91: {  	v8 =	vadd.s32 $0xFFFFFFFF, v8  }
0x92: {  	v8 =	vbroadcast v8, $0x0  }
0x93: {  	v9, _, _ =	vpop (xrf0)  }
0x94: {  	v8 =	vadd.s32 v9, v8;
	(v2sf) =	vpush v9, $0xF;
	_ =	sdelay $0x2  }
.Ltmp6:
0x95: {  	(pc) =	sbr.rel @!p1 .LBB2_9-.Ltmp6, $4  }
0x96: {  	v9 =	vor.u32 s15, v2;
	s15 =	smov.u32 s16  }
0x97: {  	[tilespmem:v8+s23+$0x0] =	vst.idx.msk vm1, v9  }
0x98: {  	s3 =	sadd.s32 $0x10, s3  }
0x99: {  	s16 =	sadd.s32 $0x10, s16;
	v8 =	vld [tilespmem:s3+$0x0]  }
0x9a: {  	_ =	sdelay $0x3  }
0x9b: {  	vm1 =	veq.f32 v8, v7  }
0x9c: {  	v7 =	vsel vm1, $0x1, v3  }
0x9d: {  	(xrf0) =	vadd.scan.msk.s32 $0xffff, v7  }
0x9e: {  	s3 =	spop (v2sf)  }
0x9f: {  	s3 =	sadd.s32 s14, s3  }
0xa0: {  	v8 =	vmov s3  }
0xa1: {  	v8 =	vadd.s32 $0xFFFFFFFF, v8  }
0xa2: {  	v8 =	vbroadcast v8, $0x0  }
0xa3: {  	v7, _, _ =	vpop (xrf0)  }
0xa4: {  	(v2sf) =	vpush v7, $0xF;
	v7 =	vadd.s32 v7, v8;
	_ =	sdelay $0x3  }
0xa5: {  	v8 =	vor.u32 s15, v2  }
0xa6: {  	[tilespmem:v7+s23+$0x0] =	vst.idx.msk vm1, v8  }
0xa7: {  	v7 =	vld [tilespmem:$0x800];
	_ =	sdelay $0x5  }
0xa8: {  	v8 =	vld [tilespmem:$0x810];
	_ =	sdelay $0x1  }
0xa9: {  	v9 =	vld.idx.msk [tilespmem:v7+s4+$0x0], $0xffff;
	_ =	sdelay $0x2  }
0xaa: {  	v7 =	vadd.s32 v0, v7  }
0xab: {  	[tilespmem:$0x1000] =	vst v7;
	v7 =	vld [tilespmem:$0x820]  }
0xac: {  	[tilespmem:$0x1200] =	vst v9  }
0xad: {  	v9 =	vld.idx.msk [tilespmem:v8+s4+$0x0], $0xffff;
	_ =	sdelay $0x2  }
0xae: {  	v8 =	vadd.s32 v0, v8  }
0xaf: {  	[tilespmem:$0x1010] =	vst v8;
	v8 =	vld [tilespmem:$0x830]  }
0xb0: {  	[tilespmem:$0x1210] =	vst v9  }
0xb1: {  	v9 =	vld.idx.msk [tilespmem:v7+s4+$0x0], $0xffff;
	_ =	sdelay $0x2  }
0xb2: {  	v7 =	vadd.s32 v0, v7  }
0xb3: {  	[tilespmem:$0x1020] =	vst v7;
	v7 =	vld [tilespmem:$0x840]  }
0xb4: {  	[tilespmem:$0x1220] =	vst v9  }
0xb5: {  	v9 =	vld.idx.msk [tilespmem:v8+s4+$0x0], $0xffff;
	_ =	sdelay $0x2  }
0xb6: {  	v8 =	vadd.s32 v0, v8  }
0xb7: {  	[tilespmem:$0x1030] =	vst v8;
	v8 =	vld [tilespmem:$0x850]  }
0xb8: {  	[tilespmem:$0x1230] =	vst v9  }
0xb9: {  	v9 =	vld.idx.msk [tilespmem:v7+s4+$0x0], $0xffff;
	_ =	sdelay $0x2  }
0xba: {  	v7 =	vadd.s32 v0, v7  }
0xbb: {  	[tilespmem:$0x1040] =	vst v7;
	v7 =	vld [tilespmem:$0x860]  }
0xbc: {  	[tilespmem:$0x1240] =	vst v9  }
0xbd: {  	v9 =	vld.idx.msk [tilespmem:v8+s4+$0x0], $0xffff;
	_ =	sdelay $0x2  }
0xbe: {  	v8 =	vadd.s32 v0, v8  }
0xbf: {  	[tilespmem:$0x1050] =	vst v8;
	v8 =	vld [tilespmem:$0x870]  }
0xc0: {  	[tilespmem:$0x1250] =	vst v9  }
0xc1: {  	v9 =	vld.idx.msk [tilespmem:v7+s4+$0x0], $0xffff;
	_ =	sdelay $0x2  }
0xc2: {  	v7 =	vadd.s32 v0, v7  }
0xc3: {  	[tilespmem:$0x1060] =	vst v7;
	v7 =	vld [tilespmem:$0x880]  }
0xc4: {  	[tilespmem:$0x1260] =	vst v9  }
0xc5: {  	v9 =	vld.idx.msk [tilespmem:v8+s4+$0x0], $0xffff;
	_ =	sdelay $0x2  }
0xc6: {  	v8 =	vadd.s32 v0, v8  }
0xc7: {  	[tilespmem:$0x1070] =	vst v8;
	v8 =	vld [tilespmem:$0x890]  }
0xc8: {  	[tilespmem:$0x1270] =	vst v9  }
0xc9: {  	v9 =	vld.idx.msk [tilespmem:v7+s4+$0x0], $0xffff;
	_ =	sdelay $0x2  }
0xca: {  	v7 =	vadd.s32 v0, v7  }
0xcb: {  	[tilespmem:$0x1080] =	vst v7;
	v7 =	vld [tilespmem:$0x8A0]  }
0xcc: {  	[tilespmem:$0x1280] =	vst v9  }
0xcd: {  	v9 =	vld.idx.msk [tilespmem:v8+s4+$0x0], $0xffff;
	_ =	sdelay $0x2  }
0xce: {  	v8 =	vadd.s32 v0, v8  }
0xcf: {  	[tilespmem:$0x1090] =	vst v8;
	v8 =	vld [tilespmem:$0x8B0]  }
0xd0: {  	[tilespmem:$0x1290] =	vst v9  }
0xd1: {  	v9 =	vld.idx.msk [tilespmem:v7+s4+$0x0], $0xffff;
	_ =	sdelay $0x2  }
0xd2: {  	v7 =	vadd.s32 v0, v7  }
0xd3: {  	[tilespmem:$0x10A0] =	vst v7;
	v7 =	vld [tilespmem:$0x8C0]  }
0xd4: {  	[tilespmem:$0x12A0] =	vst v9  }
0xd5: {  	v9 =	vld.idx.msk [tilespmem:v8+s4+$0x0], $0xffff;
	_ =	sdelay $0x2  }
0xd6: {  	v8 =	vadd.s32 v0, v8  }
0xd7: {  	[tilespmem:$0x10B0] =	vst v8;
	v8 =	vld [tilespmem:$0x8D0]  }
0xd8: {  	[tilespmem:$0x12B0] =	vst v9  }
0xd9: {  	v9 =	vld.idx.msk [tilespmem:v7+s4+$0x0], $0xffff;
	_ =	sdelay $0x2  }
0xda: {  	v7 =	vadd.s32 v0, v7  }
0xdb: {  	[tilespmem:$0x10C0] =	vst v7;
	v7 =	vld [tilespmem:$0x8E0]  }
0xdc: {  	[tilespmem:$0x12C0] =	vst v9  }
0xdd: {  	v9 =	vld.idx.msk [tilespmem:v8+s4+$0x0], $0xffff;
	_ =	sdelay $0x2  }
0xde: {  	v8 =	vadd.s32 v0, v8  }
0xdf: {  	[tilespmem:$0x10D0] =	vst v8;
	v8 =	vld [tilespmem:$0x8F0]  }
0xe0: {  	[tilespmem:$0x12D0] =	vst v9  }
0xe1: {  	v9 =	vld.idx.msk [tilespmem:v7+s4+$0x0], $0xffff;
	_ =	sdelay $0x2  }
0xe2: {  	v7 =	vadd.s32 v0, v7  }
0xe3: {  	v31 =	vld [tilespmem:$0x1000];
	[tilespmem:$0x10E0] =	vst v7  }
0xe4: {  	v10 =	vld [tilespmem:$0x1200];
	[tilespmem:$0x12E0] =	vst v9  }
0xe5: {  	v7 =	vld.idx.msk [tilespmem:v8+s4+$0x0], $0xffff;
	_ =	sdelay $0x1  }
0xe6: {  	v11 =	vld [tilespmem:$0x1080]  }
0xe7: {  	v32 =	vld [tilespmem:$0x1210];
	[tilespmem:$0x1100] =	vst v31  }
0xe8: {  	v33 =	vld [tilespmem:$0x1090];
	[tilespmem:$0x1300] =	vst v10  }
0xe9: {  	[tilespmem:$0x12F0] =	vst v7;
	v7 =	vadd.s32 v0, v8;
	v8 =	vld [tilespmem:$0x1280]  }
0xea: {  	[tilespmem:$0x10F0] =	vst v7;
	v7 =	vld [tilespmem:$0x1010]  }
0xeb: {  	v34 =	vld [tilespmem:$0x1290];
	[tilespmem:$0x1180] =	vst v11  }
0xec: {  	v35 =	vld [tilespmem:$0x10A0];
	[tilespmem:$0x1310] =	vst v32  }
0xed: {  	v36 =	vld [tilespmem:$0x12A0];
	[tilespmem:$0x1190] =	vst v33  }
0xee: {  	[tilespmem:$0x1380] =	vst v8;
	v8 =	vld [tilespmem:$0x1020]  }
0xef: {  	[tilespmem:$0x1110] =	vst v7;
	v7 =	vld [tilespmem:$0x1220]  }
0xf0: {  	v37 =	vld [tilespmem:$0x1030];
	[tilespmem:$0x1390] =	vst v34  }
0xf1: {  	v38 =	vld [tilespmem:$0x12B0];
	[tilespmem:$0x11A0] =	vst v35  }
0xf2: {  	v39 =	vld [tilespmem:$0x1040];
	[tilespmem:$0x13A0] =	vst v36  }
0xf3: {  	[tilespmem:$0x1120] =	vst v8;
	v8 =	vld [tilespmem:$0x1230]  }
0xf4: {  	[tilespmem:$0x1320] =	vst v7;
	v7 =	vld [tilespmem:$0x10B0]  }
0xf5: {  	v40 =	vld [tilespmem:$0x1240];
	[tilespmem:$0x1130] =	vst v37  }
0xf6: {  	v41 =	vld [tilespmem:$0x1050];
	[tilespmem:$0x13B0] =	vst v38  }
0xf7: {  	v42 =	vld [tilespmem:$0x1250];
	[tilespmem:$0x1140] =	vst v39  }
0xf8: {  	[tilespmem:$0x1330] =	vst v8;
	v8 =	vld [tilespmem:$0x10C0]  }
0xf9: {  	[tilespmem:$0x11B0] =	vst v7;
	v7 =	vld [tilespmem:$0x12C0]  }
0xfa: {  	v43 =	vld [tilespmem:$0x10D0];
	[tilespmem:$0x1340] =	vst v40  }
0xfb: {  	v44 =	vld [tilespmem:$0x1260];
	[tilespmem:$0x1150] =	vst v41  }
0xfc: {  	v45 =	vld [tilespmem:$0x10E0];
	[tilespmem:$0x1350] =	vst v42  }
0xfd: {  	[tilespmem:$0x11C0] =	vst v8;
	v8 =	vld [tilespmem:$0x12D0]  }
0xfe: {  	[tilespmem:$0x13C0] =	vst v7;
	v7 =	vld [tilespmem:$0x1060]  }
0xff: {  	[tilespmem:$0x11D0] =	vst v43;
	v46 =	vld [tilespmem:$0x12E0]  }
0x100: {  	[tilespmem:$0x1360] =	vst v44;
	v48 =	vld [tilespmem:$0x12F0]  }
0x101: {  	[tilespmem:$0x11E0] =	vst v45;
	v47 =	vld [tilespmem:$0x10F0]  }
0x102: {  	[tilespmem:$0x13D0] =	vst v8;
	v8 =	vld [tilespmem:$0x1070]  }
0x103: {  	[tilespmem:$0x1160] =	vst v7;
	v7 =	vld [tilespmem:$0x1270]  }
0x104: {  	[tilespmem:$0x13E0] =	vst v46  }
0x105: {  	[tilespmem:$0x13F0] =	vst v48  }
0x106: {  	[tilespmem:$0x11F0] =	vst v47  }
0x107: {  	[tilespmem:$0x1170] =	vst v8  }
0x108: {  	s22 =	spop (v2sf);
	[tilespmem:$0x1370] =	vst v7  }
0x109: {  	s24 =	simm.s32 $0x80;
	[bflag:$0x0] =	sbarrier.arrive $0xFFFF  }
0x10a: {  	s25 =	simm.s32 $0x1100;
	s16 =	simm.s32 $0x1300;
	s3 =	rddreg [dreg:$0x2]  }
0x10b: {  	[spmem:s3] =	stream.indirect.scatter.add.f32 [tilespmem:s16], [sflag:$0x3], $0x1, s25, s24, $0xb8;
	[tilespmem:$0x12500] =	vst v63  }
0x10c: {  	_ =	swait.ge [sflag:s28], $0x80  }
0x10d: {  	[sflag:s28] =	ssyncset.done $0x0  }
0x10e: {  	s26 =	simm.s32 $0x1180;
	s29 =	simm.s32 $0x1380;
	[sflag:s28] =	ssyncadd.s32 $0xFFFFFF80  }
0x10f: {  	[spmem:s3] =	stream.indirect.scatter.add.f32 [tilespmem:s29], [sflag:$0x3], $0x1, s26, s24, $0xb8;
	[tilespmem:$0x12500] =	vst v63  }
0x110: {  	_ =	swait.ge [sflag:s28], $0x80  }
0x111: {  	[sflag:s28] =	ssyncset.done $0x0  }
0x112: {  	[sflag:s28] =	ssyncadd.s32 $0xFFFFFF80  }
0x113: {  	s0 =	simm.s32 $0x1400;
	[bflag:$0x0] =	sbarrier.arrive $0xFFFF  }
0x114: {  	[tilespmem:s0], [sflag:$0x3] =	stream.linear.gather [spmem:s3], $0x1000, $0x38;
	[tilespmem:$0x12500] =	vst v63  }
0x115: {  	_ =	swait.ge [sflag:s28], $0x1000  }
0x116: {  	[sflag:s28] =	ssyncset.done $0x0  }
0x117: {  	[sflag:s28] =	ssyncadd.s32 $0xFFFFF000  }
0x118: {  	v7 =	vld [tilespmem:$0x1000];
	_ =	sdelay $0x7  }
0x119: {  	v7 =	vld.idx.msk [tilespmem:v7+s0+$0x0], $0xffff;
	_ =	sdelay $0x4  }
0x11a: {  	v7 =	vadd.f32 $9.999999960e-13, v7;
	_ =	sdelay $0x1  }
0x11b: {  	(erf) = vrcp.f32 v7;
	_ =	sdelay $0x3  }
0x11c: {  	v8 =	vld [tilespmem:$0x1010]  }
0x11d: {  	v7 =	vld [tilespmem:$0x1200];
	_ =	sdelay $0x3  }
0x11e: {  	v49 =	vpop (erf)  }
0x11f: {  	v7 =	vmul.f32 v49, v7;
	_ =	sdelay $0x1  }
0x120: {  	[tilespmem:$0x1200] =	vst v7  }
0x121: {  	v7 =	vld.idx.msk [tilespmem:v8+s0+$0x0], $0xffff;
	_ =	sdelay $0x4  }
0x122: {  	v7 =	vadd.f32 $9.999999960e-13, v7;
	_ =	sdelay $0x1  }
0x123: {  	(erf) = vrcp.f32 v7;
	_ =	sdelay $0x3  }
0x124: {  	v8 =	vld [tilespmem:$0x1020]  }
0x125: {  	v7 =	vld [tilespmem:$0x1210];
	_ =	sdelay $0x3  }
0x126: {  	v50 =	vpop (erf)  }
0x127: {  	v7 =	vmul.f32 v50, v7;
	_ =	sdelay $0x1  }
0x128: {  	[tilespmem:$0x1210] =	vst v7  }
0x129: {  	v7 =	vld.idx.msk [tilespmem:v8+s0+$0x0], $0xffff;
	_ =	sdelay $0x4  }
0x12a: {  	v7 =	vadd.f32 $9.999999960e-13, v7;
	_ =	sdelay $0x1  }
0x12b: {  	(erf) = vrcp.f32 v7;
	_ =	sdelay $0x3  }
0x12c: {  	v8 =	vld [tilespmem:$0x1030]  }
0x12d: {  	v7 =	vld [tilespmem:$0x1220];
	_ =	sdelay $0x3  }
0x12e: {  	v51 =	vpop (erf)  }
0x12f: {  	v7 =	vmul.f32 v51, v7;
	_ =	sdelay $0x1  }
0x130: {  	[tilespmem:$0x1220] =	vst v7  }
0x131: {  	v7 =	vld.idx.msk [tilespmem:v8+s0+$0x0], $0xffff;
	_ =	sdelay $0x4  }
0x132: {  	v7 =	vadd.f32 $9.999999960e-13, v7;
	_ =	sdelay $0x1  }
0x133: {  	(erf) = vrcp.f32 v7;
	_ =	sdelay $0x3  }
0x134: {  	v8 =	vld [tilespmem:$0x1040]  }
0x135: {  	v7 =	vld [tilespmem:$0x1230];
	_ =	sdelay $0x3  }
0x136: {  	v52 =	vpop (erf)  }
0x137: {  	v7 =	vmul.f32 v52, v7;
	_ =	sdelay $0x1  }
0x138: {  	[tilespmem:$0x1230] =	vst v7  }
0x139: {  	v7 =	vld.idx.msk [tilespmem:v8+s0+$0x0], $0xffff;
	_ =	sdelay $0x4  }
0x13a: {  	v7 =	vadd.f32 $9.999999960e-13, v7;
	_ =	sdelay $0x1  }
0x13b: {  	(erf) = vrcp.f32 v7;
	_ =	sdelay $0x3  }
0x13c: {  	v8 =	vld [tilespmem:$0x1050]  }
0x13d: {  	v7 =	vld [tilespmem:$0x1240];
	_ =	sdelay $0x3  }
0x13e: {  	v53 =	vpop (erf)  }
0x13f: {  	v7 =	vmul.f32 v53, v7;
	_ =	sdelay $0x1  }
0x140: {  	[tilespmem:$0x1240] =	vst v7  }
0x141: {  	v7 =	vld.idx.msk [tilespmem:v8+s0+$0x0], $0xffff;
	_ =	sdelay $0x4  }
0x142: {  	v7 =	vadd.f32 $9.999999960e-13, v7;
	_ =	sdelay $0x1  }
0x143: {  	(erf) = vrcp.f32 v7;
	_ =	sdelay $0x3  }
0x144: {  	v8 =	vld [tilespmem:$0x1060]  }
0x145: {  	v7 =	vld [tilespmem:$0x1250];
	_ =	sdelay $0x3  }
0x146: {  	v54 =	vpop (erf)  }
0x147: {  	v7 =	vmul.f32 v54, v7;
	_ =	sdelay $0x1  }
0x148: {  	[tilespmem:$0x1250] =	vst v7  }
0x149: {  	v7 =	vld.idx.msk [tilespmem:v8+s0+$0x0], $0xffff;
	_ =	sdelay $0x4  }
0x14a: {  	v7 =	vadd.f32 $9.999999960e-13, v7;
	_ =	sdelay $0x1  }
0x14b: {  	(erf) = vrcp.f32 v7;
	_ =	sdelay $0x3  }
0x14c: {  	v8 =	vld [tilespmem:$0x1070]  }
0x14d: {  	v7 =	vld [tilespmem:$0x1260];
	_ =	sdelay $0x3  }
0x14e: {  	v55 =	vpop (erf)  }
0x14f: {  	v7 =	vmul.f32 v55, v7;
	_ =	sdelay $0x1  }
0x150: {  	[tilespmem:$0x1260] =	vst v7  }
0x151: {  	v7 =	vld.idx.msk [tilespmem:v8+s0+$0x0], $0xffff;
	_ =	sdelay $0x4  }
0x152: {  	v7 =	vadd.f32 $9.999999960e-13, v7;
	_ =	sdelay $0x1  }
0x153: {  	(erf) = vrcp.f32 v7;
	_ =	sdelay $0x3  }
0x154: {  	v8 =	vld [tilespmem:$0x1080]  }
0x155: {  	v7 =	vld [tilespmem:$0x1270];
	_ =	sdelay $0x3  }
0x156: {  	v56 =	vpop (erf)  }
0x157: {  	v7 =	vmul.f32 v56, v7;
	_ =	sdelay $0x1  }
0x158: {  	[tilespmem:$0x1270] =	vst v7  }
0x159: {  	v7 =	vld.idx.msk [tilespmem:v8+s0+$0x0], $0xffff;
	_ =	sdelay $0x4  }
0x15a: {  	v7 =	vadd.f32 $9.999999960e-13, v7;
	_ =	sdelay $0x1  }
0x15b: {  	(erf) = vrcp.f32 v7;
	_ =	sdelay $0x3  }
0x15c: {  	v8 =	vld [tilespmem:$0x1090]  }
0x15d: {  	v7 =	vld [tilespmem:$0x1280];
	_ =	sdelay $0x3  }
0x15e: {  	v57 =	vpop (erf)  }
0x15f: {  	v7 =	vmul.f32 v57, v7;
	_ =	sdelay $0x1  }
0x160: {  	[tilespmem:$0x1280] =	vst v7  }
0x161: {  	v7 =	vld.idx.msk [tilespmem:v8+s0+$0x0], $0xffff;
	_ =	sdelay $0x4  }
0x162: {  	v7 =	vadd.f32 $9.999999960e-13, v7;
	_ =	sdelay $0x1  }
0x163: {  	(erf) = vrcp.f32 v7;
	_ =	sdelay $0x3  }
0x164: {  	v8 =	vld [tilespmem:$0x10A0]  }
0x165: {  	v7 =	vld [tilespmem:$0x1290];
	_ =	sdelay $0x3  }
0x166: {  	v58 =	vpop (erf)  }
0x167: {  	v7 =	vmul.f32 v58, v7;
	_ =	sdelay $0x1  }
0x168: {  	[tilespmem:$0x1290] =	vst v7  }
0x169: {  	v7 =	vld.idx.msk [tilespmem:v8+s0+$0x0], $0xffff;
	_ =	sdelay $0x4  }
0x16a: {  	v7 =	vadd.f32 $9.999999960e-13, v7;
	_ =	sdelay $0x1  }
0x16b: {  	(erf) = vrcp.f32 v7;
	_ =	sdelay $0x3  }
0x16c: {  	v8 =	vld [tilespmem:$0x10B0]  }
0x16d: {  	v7 =	vld [tilespmem:$0x12A0];
	_ =	sdelay $0x3  }
0x16e: {  	v59 =	vpop (erf)  }
0x16f: {  	v7 =	vmul.f32 v59, v7;
	_ =	sdelay $0x1  }
0x170: {  	[tilespmem:$0x12A0] =	vst v7  }
0x171: {  	v7 =	vld.idx.msk [tilespmem:v8+s0+$0x0], $0xffff;
	_ =	sdelay $0x4  }
0x172: {  	v7 =	vadd.f32 $9.999999960e-13, v7;
	_ =	sdelay $0x1  }
0x173: {  	(erf) = vrcp.f32 v7;
	_ =	sdelay $0x3  }
0x174: {  	v8 =	vld [tilespmem:$0x10C0]  }
0x175: {  	v7 =	vld [tilespmem:$0x12B0];
	_ =	sdelay $0x3  }
0x176: {  	v60 =	vpop (erf)  }
0x177: {  	v7 =	vmul.f32 v60, v7;
	_ =	sdelay $0x1  }
0x178: {  	[tilespmem:$0x12B0] =	vst v7  }
0x179: {  	v7 =	vld.idx.msk [tilespmem:v8+s0+$0x0], $0xffff;
	_ =	sdelay $0x4  }
0x17a: {  	v7 =	vadd.f32 $9.999999960e-13, v7;
	_ =	sdelay $0x1  }
0x17b: {  	(erf) = vrcp.f32 v7;
	_ =	sdelay $0x3  }
0x17c: {  	v8 =	vld [tilespmem:$0x10D0]  }
0x17d: {  	v7 =	vld [tilespmem:$0x12C0];
	_ =	sdelay $0x3  }
0x17e: {  	v61 =	vpop (erf)  }
0x17f: {  	v7 =	vmul.f32 v61, v7;
	_ =	sdelay $0x1  }
0x180: {  	[tilespmem:$0x12C0] =	vst v7  }
0x181: {  	v7 =	vld.idx.msk [tilespmem:v8+s0+$0x0], $0xffff;
	_ =	sdelay $0x4  }
0x182: {  	v7 =	vadd.f32 $9.999999960e-13, v7;
	_ =	sdelay $0x1  }
0x183: {  	(erf) = vrcp.f32 v7;
	_ =	sdelay $0x3  }
0x184: {  	v8 =	vld [tilespmem:$0x10E0]  }
0x185: {  	v7 =	vld [tilespmem:$0x12D0];
	_ =	sdelay $0x3  }
0x186: {  	v62 =	vpop (erf)  }
0x187: {  	v7 =	vmul.f32 v62, v7;
	_ =	sdelay $0x1  }
0x188: {  	[tilespmem:$0x12D0] =	vst v7  }
0x189: {  	v7 =	vld.idx.msk [tilespmem:v8+s0+$0x0], $0xffff;
	_ =	sdelay $0x4  }
0x18a: {  	v7 =	vadd.f32 $9.999999960e-13, v7;
	_ =	sdelay $0x1  }
0x18b: {  	(erf) = vrcp.f32 v7;
	_ =	sdelay $0x3  }
0x18c: {  	v8 =	vld [tilespmem:$0x10F0]  }
0x18d: {  	v7 =	vld [tilespmem:$0x12E0];
	_ =	sdelay $0x3  }
0x18e: {  	v63 =	vpop (erf)  }
0x18f: {  	v7 =	vmul.f32 v63, v7;
	_ =	sdelay $0x1  }
0x190: {  	[tilespmem:$0x12E0] =	vst v7  }
0x191: {  	v7 =	vld.idx.msk [tilespmem:v8+s0+$0x0], $0xffff;
	_ =	sdelay $0x4  }
0x192: {  	v7 =	vadd.f32 $9.999999960e-13, v7;
	_ =	sdelay $0x1  }
0x193: {  	(erf) = vrcp.f32 v7;
	_ =	sdelay $0x4  }
0x194: {  	v7 =	vld [tilespmem:$0x12F0];
	_ =	sdelay $0x3  }
0x195: {  	v8 =	vpop (erf)  }
0x196: {  	v7 =	vmul.f32 v8, v7;
	_ =	sdelay $0x1  }
0x197: {  	s31 =	simm.s32 $0x1000;
	s30 =	rddreg [dreg:$0x5];
	[tilespmem:$0x12F0] =	vst v7  }
0x198: {  	[hbm4b:s30+s4] =	stream.linear.scatter [tilespmem:s31], [sflag:$0x3], $0x100, $0x38;
	[tilespmem:$0x12500] =	vst v63  }
0x199: {  	_ =	swait.ge [sflag:s28], $0x100  }
0x19a: {  	[sflag:s28] =	ssyncset.done $0x0  }
0x19b: {  	s2 =	simm.s32 $0x1200;
	s0 =	rddreg [dreg:$0x6];
	[sflag:s28] =	ssyncadd.s32 $0xFFFFFF00  }
0x19c: {  	[hbm4b:s0+s4] =	stream.linear.scatter [tilespmem:s2], [sflag:$0x3], $0x100, $0x38;
	[tilespmem:$0x12500] =	vst v63  }
0x19d: {  	_ =	swait.ge [sflag:s28], $0x100  }
0x19e: {  	[sflag:s28] =	ssyncset.done $0x0  }
0x19f: {  	[sflag:s28] =	ssyncadd.s32 $0xFFFFFF00  }
0x1a0: {  	v7 =	vld [tilespmem:$0x1000];
	_ =	sdelay $0x4  }
0x1a1: {  	v8 =	vshll.u32 v7, $0x3  }
0x1a2: {  	v7 =	vand.u32 $0x7, v7;
	v8 =	vand.u32 $0xFFFFFFC0, v8  }
0x1a3: {  	v7 =	vor.u32 v7, v8  }
0x1a4: {  	v8 =	vperm.xlane v7, v4;
	_ =	sdelay $0x1  }
0x1a5: {  	v8 =	vadd.s32 v5, v8;
	_ =	sdelay $0x4  }
0x1a6: {  	[tilespmem:s18], [sflag:$0x1] =	stream.indirect_vreg.gather [hbm4b:s1+s4], $0x80, v8, vm0, $0xb8;
	[tilespmem:$0x12500] =	vst v63  }
0x1a7: {  	s5 =	simm.s32 $0x2D00;
	v7 =	vperm.xlane v7, v6  }
0x1a8: {  	[tilespmem:s5], [sflag:$0x1] =	stream.indirect_vreg.gather [hbm4b:s9+s4], $0x80, v8, vm0, $0xb8;
	[tilespmem:$0x12500] =	vst v63  }
0x1a9: {  	s6 =	simm.s32 $0x3500;
	v7 =	vadd.s32 v5, v7  }
0x1aa: {  	[tilespmem:s6], [sflag:$0x1] =	stream.indirect_vreg.gather [hbm4b:s10+s4], $0x80, v8, vm0, $0xb8;
	[tilespmem:$0x12500] =	vst v63  }
0x1ab: {  	s7 =	simm.s32 $0x3D00  }
0x1ac: {  	[tilespmem:s7], [sflag:$0x1] =	stream.indirect_vreg.gather [hbm4b:s11+s4], $0x80, v8, vm0, $0xb8;
	[tilespmem:$0x12500] =	vst v63  }
0x1ad: {  	s8 =	simm.s32 $0x4500  }
0x1ae: {  	[tilespmem:s8], [sflag:$0x1] =	stream.indirect_vreg.gather [hbm4b:s1+s4], $0x80, v7, vm0, $0xb8;
	[tilespmem:$0x12500] =	vst v63  }
0x1af: {  	s14 =	simm.s32 $0x4D00  }
0x1b0: {  	[tilespmem:s14], [sflag:$0x1] =	stream.indirect_vreg.gather [hbm4b:s9+s4], $0x80, v7, vm0, $0xb8;
	[tilespmem:$0x12500] =	vst v63  }
0x1b1: {  	s15 =	simm.s32 $0x5500  }
0x1b2: {  	[tilespmem:s15], [sflag:$0x1] =	stream.indirect_vreg.gather [hbm4b:s10+s4], $0x80, v7, vm0, $0xb8;
	[tilespmem:$0x12500] =	vst v63  }
0x1b3: {  	s16 =	simm.s32 $0x5D00  }
0x1b4: {  	[tilespmem:s16], [sflag:$0x1] =	stream.indirect_vreg.gather [hbm4b:s11+s4], $0x80, v7, vm0, $0xb8;
	[tilespmem:$0x12500] =	vst v63  }
0x1b5: {  	v7 =	vld [tilespmem:$0x1010];
	_ =	sdelay $0x4  }
0x1b6: {  	v8 =	vshll.u32 v7, $0x3  }
0x1b7: {  	v7 =	vand.u32 $0x7, v7;
	v8 =	vand.u32 $0xFFFFFFC0, v8  }
0x1b8: {  	v7 =	vor.u32 v7, v8  }
0x1b9: {  	v8 =	vperm.xlane v7, v4;
	_ =	sdelay $0x1  }
0x1ba: {  	v8 =	vadd.s32 v5, v8;
	_ =	sdelay $0x3  }
0x1bb: {  	s19 =	simm.s32 $0x6500  }
0x1bc: {  	[tilespmem:s19], [sflag:$0x1] =	stream.indirect_vreg.gather [hbm4b:s1+s4], $0x80, v8, vm0, $0xb8;
	[tilespmem:$0x12500] =	vst v63  }
0x1bd: {  	s20 =	simm.s32 $0x6D00;
	v7 =	vperm.xlane v7, v6  }
0x1be: {  	[tilespmem:s20], [sflag:$0x1] =	stream.indirect_vreg.gather [hbm4b:s9+s4], $0x80, v8, vm0, $0xb8;
	[tilespmem:$0x12500] =	vst v63  }
0x1bf: {  	s21 =	simm.s32 $0x7500;
	v7 =	vadd.s32 v5, v7  }
0x1c0: {  	[tilespmem:s21], [sflag:$0x1] =	stream.indirect_vreg.gather [hbm4b:s10+s4], $0x80, v8, vm0, $0xb8;
	[tilespmem:$0x12500] =	vst v63  }
0x1c1: {  	s22 =	simm.s32 $0x7D00  }
0x1c2: {  	[tilespmem:s22], [sflag:$0x1] =	stream.indirect_vreg.gather [hbm4b:s11+s4], $0x80, v8, vm0, $0xb8;
	[tilespmem:$0x12500] =	vst v63  }
0x1c3: {  	s26 =	simm.s32 $0x8500  }
0x1c4: {  	[tilespmem:s26], [sflag:$0x1] =	stream.indirect_vreg.gather [hbm4b:s1+s4], $0x80, v7, vm0, $0xb8;
	[tilespmem:$0x12500] =	vst v63  }
0x1c5: {  	s30 =	simm.s32 $0x8D00  }
0x1c6: {  	[tilespmem:s30], [sflag:$0x1] =	stream.indirect_vreg.gather [hbm4b:s9+s4], $0x80, v7, vm0, $0xb8;
	[tilespmem:$0x12500] =	vst v63  }
0x1c7: {  	s31 =	simm.s32 $0x9500  }
0x1c8: {  	[tilespmem:s31], [sflag:$0x1] =	stream.indirect_vreg.gather [hbm4b:s10+s4], $0x80, v7, vm0, $0xb8;
	[tilespmem:$0x12500] =	vst v63  }
0x1c9: {  	s3 =	simm.s32 $0x9D00  }
0x1ca: {  	[tilespmem:s3], [sflag:$0x1] =	stream.indirect_vreg.gather [hbm4b:s11+s4], $0x80, v7, vm0, $0xb8;
	[tilespmem:$0x12500] =	vst v63  }
0x1cb: {  	_ =	swait.ge [sflag:s17], $0x8000  }
0x1cc: {  	[sflag:s17] =	ssyncset.done $0x0  }
0x1cd: {  	s6 =	rddreg [dreg:$0x7];
	[sflag:s17] =	ssyncadd.s32 $0xFFFF8000  }
0x1ce: {  	[hbm4b:s6+s4] =	stream.linear.scatter [tilespmem:s18], [sflag:$0x2], $0x8000, $0x38;
	[tilespmem:$0x12500] =	vst v63  }
0x1cf: {  	v7 =	vld [tilespmem:$0x1020];
	_ =	sdelay $0x4  }
0x1d0: {  	v8 =	vshll.u32 v7, $0x3  }
0x1d1: {  	v7 =	vand.u32 $0x7, v7;
	v8 =	vand.u32 $0xFFFFFFC0, v8  }
0x1d2: {  	v7 =	vor.u32 v7, v8  }
0x1d3: {  	v8 =	vperm.xlane v7, v4;
	_ =	sdelay $0x1  }
0x1d4: {  	v8 =	vadd.s32 v5, v8;
	_ =	sdelay $0x3  }
0x1d5: {  	s15 =	simm.s32 $0xA500  }
0x1d6: {  	[tilespmem:s15], [sflag:$0x1] =	stream.indirect_vreg.gather [hbm4b:s1+s4], $0x80, v8, vm0, $0xb8;
	[tilespmem:$0x12500] =	vst v63  }
0x1d7: {  	s7 =	simm.s32 $0xAD00;
	v7 =	vperm.xlane v7, v6  }
0x1d8: {  	[tilespmem:s7], [sflag:$0x1] =	stream.indirect_vreg.gather [hbm4b:s9+s4], $0x80, v8, vm0, $0xb8;
	[tilespmem:$0x12500] =	vst v63  }
0x1d9: {  	s14 =	simm.s32 $0xB500;
	v7 =	vadd.s32 v5, v7  }
0x1da: {  	[tilespmem:s14], [sflag:$0x1] =	stream.indirect_vreg.gather [hbm4b:s10+s4], $0x80, v8, vm0, $0xb8;
	[tilespmem:$0x12500] =	vst v63  }
0x1db: {  	s16 =	simm.s32 $0xBD00  }
0x1dc: {  	[tilespmem:s16], [sflag:$0x1] =	stream.indirect_vreg.gather [hbm4b:s11+s4], $0x80, v8, vm0, $0xb8;
	[tilespmem:$0x12500] =	vst v63  }
0x1dd: {  	s19 =	simm.s32 $0xC500  }
0x1de: {  	[tilespmem:s19], [sflag:$0x1] =	stream.indirect_vreg.gather [hbm4b:s1+s4], $0x80, v7, vm0, $0xb8;
	[tilespmem:$0x12500] =	vst v63  }
0x1df: {  	s20 =	simm.s32 $0xCD00  }
0x1e0: {  	[tilespmem:s20], [sflag:$0x1] =	stream.indirect_vreg.gather [hbm4b:s9+s4], $0x80, v7, vm0, $0xb8;
	[tilespmem:$0x12500] =	vst v63  }
0x1e1: {  	s22 =	simm.s32 $0xD500  }
0x1e2: {  	[tilespmem:s22], [sflag:$0x1] =	stream.indirect_vreg.gather [hbm4b:s10+s4], $0x80, v7, vm0, $0xb8;
	[tilespmem:$0x12500] =	vst v63  }
0x1e3: {  	s26 =	simm.s32 $0xDD00  }
0x1e4: {  	[tilespmem:s26], [sflag:$0x1] =	stream.indirect_vreg.gather [hbm4b:s11+s4], $0x80, v7, vm0, $0xb8;
	[tilespmem:$0x12500] =	vst v63  }
0x1e5: {  	v7 =	vld [tilespmem:$0x1030];
	_ =	sdelay $0x4  }
0x1e6: {  	v8 =	vshll.u32 v7, $0x3  }
0x1e7: {  	v7 =	vand.u32 $0x7, v7;
	v8 =	vand.u32 $0xFFFFFFC0, v8  }
0x1e8: {  	v7 =	vor.u32 v7, v8  }
0x1e9: {  	v8 =	vperm.xlane v7, v4;
	_ =	sdelay $0x1  }
0x1ea: {  	v8 =	vadd.s32 v5, v8;
	_ =	sdelay $0x3  }
0x1eb: {  	s31 =	simm.s32 $0xE500  }
0x1ec: {  	[tilespmem:s31], [sflag:$0x1] =	stream.indirect_vreg.gather [hbm4b:s1+s4], $0x80, v8, vm0, $0xb8;
	[tilespmem:$0x12500] =	vst v63  }
0x1ed: {  	s0 =	simm.s32 $0xED00;
	v7 =	vperm.xlane v7, v6  }
0x1ee: {  	[tilespmem:s0], [sflag:$0x1] =	stream.indirect_vreg.gather [hbm4b:s9+s4], $0x80, v8, vm0, $0xb8;
	[tilespmem:$0x12500] =	vst v63  }
0x1ef: {  	s6 =	simm.s32 $0xF500;
	v7 =	vadd.s32 v5, v7  }
0x1f0: {  	[tilespmem:s6], [sflag:$0x1] =	stream.indirect_vreg.gather [hbm4b:s10+s4], $0x80, v8, vm0, $0xb8;
	[tilespmem:$0x12500] =	vst v63  }
0x1f1: {  	s7 =	simm.s32 $0xFD00  }
0x1f2: {  	[tilespmem:s7], [sflag:$0x1] =	stream.indirect_vreg.gather [hbm4b:s11+s4], $0x80, v8, vm0, $0xb8;
	[tilespmem:$0x12500] =	vst v63  }
0x1f3: {  	s19 =	simm.s32 $0x10500  }
0x1f4: {  	[tilespmem:s19], [sflag:$0x1] =	stream.indirect_vreg.gather [hbm4b:s1+s4], $0x80, v7, vm0, $0xb8;
	[tilespmem:$0x12500] =	vst v63  }
0x1f5: {  	s22 =	simm.s32 $0x10D00  }
0x1f6: {  	[tilespmem:s22], [sflag:$0x1] =	stream.indirect_vreg.gather [hbm4b:s9+s4], $0x80, v7, vm0, $0xb8;
	[tilespmem:$0x12500] =	vst v63  }
0x1f7: {  	s26 =	simm.s32 $0x11500  }
0x1f8: {  	[tilespmem:s26], [sflag:$0x1] =	stream.indirect_vreg.gather [hbm4b:s10+s4], $0x80, v7, vm0, $0xb8;
	[tilespmem:$0x12500] =	vst v63  }
0x1f9: {  	s31 =	simm.s32 $0x11D00  }
0x1fa: {  	[tilespmem:s31], [sflag:$0x1] =	stream.indirect_vreg.gather [hbm4b:s11+s4], $0x80, v7, vm0, $0xb8;
	[tilespmem:$0x12500] =	vst v63  }
0x1fb: {  	_ =	swait.ge [sflag:s12], $0x8000  }
0x1fc: {  	[sflag:s12] =	ssyncset.done $0x0  }
0x1fd: {  	[sflag:s12] =	ssyncadd.s32 $0xFFFF8000  }
0x1fe: {  	_ =	swait.ge [sflag:s17], $0x8000  }
0x1ff: {  	[sflag:s17] =	ssyncset.done $0x0  }
0x200: {  	s0 =	rddreg [dreg:$0x8];
	[sflag:s17] =	ssyncadd.s32 $0xFFFF8000  }
0x201: {  	[hbm4b:s0+s4] =	stream.linear.scatter [tilespmem:s15], [sflag:$0x2], $0x8000, $0x38;
	[tilespmem:$0x12500] =	vst v63  }
0x202: {  	v7 =	vld [tilespmem:$0x1040];
	_ =	sdelay $0x4  }
0x203: {  	v8 =	vshll.u32 v7, $0x3  }
0x204: {  	v7 =	vand.u32 $0x7, v7;
	v8 =	vand.u32 $0xFFFFFFC0, v8  }
0x205: {  	v7 =	vor.u32 v7, v8  }
0x206: {  	v8 =	vperm.xlane v7, v4;
	_ =	sdelay $0x1  }
0x207: {  	v8 =	vadd.s32 v5, v8;
	_ =	sdelay $0x4  }
0x208: {  	[tilespmem:s18], [sflag:$0x1] =	stream.indirect_vreg.gather [hbm4b:s1+s4], $0x80, v8, vm0, $0xb8;
	[tilespmem:$0x12500] =	vst v63  }
0x209: {  	s5 =	simm.s32 $0x2D00;
	v7 =	vperm.xlane v7, v6  }
0x20a: {  	[tilespmem:s5], [sflag:$0x1] =	stream.indirect_vreg.gather [hbm4b:s9+s4], $0x80, v8, vm0, $0xb8;
	[tilespmem:$0x12500] =	vst v63  }
0x20b: {  	s2 =	simm.s32 $0x3500;
	v7 =	vadd.s32 v5, v7  }
0x20c: {  	[tilespmem:s2], [sflag:$0x1] =	stream.indirect_vreg.gather [hbm4b:s10+s4], $0x80, v8, vm0, $0xb8;
	[tilespmem:$0x12500] =	vst v63  }
0x20d: {  	s22 =	simm.s32 $0x3D00  }
0x20e: {  	[tilespmem:s22], [sflag:$0x1] =	stream.indirect_vreg.gather [hbm4b:s11+s4], $0x80, v8, vm0, $0xb8;
	[tilespmem:$0x12500] =	vst v63  }
0x20f: {  	s5 =	simm.s32 $0x4500  }
0x210: {  	[tilespmem:s5], [sflag:$0x1] =	stream.indirect_vreg.gather [hbm4b:s1+s4], $0x80, v7, vm0, $0xb8;
	[tilespmem:$0x12500] =	vst v63  }
0x211: {  	s6 =	simm.s32 $0x4D00  }
0x212: {  	[tilespmem:s6], [sflag:$0x1] =	stream.indirect_vreg.gather [hbm4b:s9+s4], $0x80, v7, vm0, $0xb8;
	[tilespmem:$0x12500] =	vst v63  }
0x213: {  	s7 =	simm.s32 $0x5500  }
0x214: {  	[tilespmem:s7], [sflag:$0x1] =	stream.indirect_vreg.gather [hbm4b:s10+s4], $0x80, v7, vm0, $0xb8;
	[tilespmem:$0x12500] =	vst v63  }
0x215: {  	s24 =	simm.s32 $0x5D00  }
0x216: {  	[tilespmem:s24], [sflag:$0x1] =	stream.indirect_vreg.gather [hbm4b:s11+s4], $0x80, v7, vm0, $0xb8;
	[tilespmem:$0x12500] =	vst v63  }
0x217: {  	v7 =	vld [tilespmem:$0x1050];
	_ =	sdelay $0x4  }
0x218: {  	v8 =	vshll.u32 v7, $0x3  }
0x219: {  	v7 =	vand.u32 $0x7, v7;
	v8 =	vand.u32 $0xFFFFFFC0, v8  }
0x21a: {  	v7 =	vor.u32 v7, v8  }
0x21b: {  	v8 =	vperm.xlane v7, v4;
	_ =	sdelay $0x1  }
0x21c: {  	v8 =	vadd.s32 v5, v8;
	_ =	sdelay $0x3  }
0x21d: {  	s25 =	simm.s32 $0x6500  }
0x21e: {  	[tilespmem:s25], [sflag:$0x1] =	stream.indirect_vreg.gather [hbm4b:s1+s4], $0x80, v8, vm0, $0xb8;
	[tilespmem:$0x12500] =	vst v63  }
0x21f: {  	s29 =	simm.s32 $0x6D00;
	v7 =	vperm.xlane v7, v6  }
0x220: {  	[tilespmem:s29], [sflag:$0x1] =	stream.indirect_vreg.gather [hbm4b:s9+s4], $0x80, v8, vm0, $0xb8;
	[tilespmem:$0x12500] =	vst v63  }
0x221: {  	s8 =	simm.s32 $0x7500;
	v7 =	vadd.s32 v5, v7  }
0x222: {  	[tilespmem:s8], [sflag:$0x1] =	stream.indirect_vreg.gather [hbm4b:s10+s4], $0x80, v8, vm0, $0xb8;
	[tilespmem:$0x12500] =	vst v63  }
0x223: {  	s8 =	simm.s32 $0x7D00  }
0x224: {  	[tilespmem:s8], [sflag:$0x1] =	stream.indirect_vreg.gather [hbm4b:s11+s4], $0x80, v8, vm0, $0xb8;
	[tilespmem:$0x12500] =	vst v63  }
0x225: {  	s29 =	simm.s32 $0x8500  }
0x226: {  	[tilespmem:s29], [sflag:$0x1] =	stream.indirect_vreg.gather [hbm4b:s1+s4], $0x80, v7, vm0, $0xb8;
	[tilespmem:$0x12500] =	vst v63  }
0x227: {  	s24 =	simm.s32 $0x8D00  }
0x228: {  	[tilespmem:s24], [sflag:$0x1] =	stream.indirect_vreg.gather [hbm4b:s9+s4], $0x80, v7, vm0, $0xb8;
	[tilespmem:$0x12500] =	vst v63  }
0x229: {  	s25 =	simm.s32 $0x9500  }
0x22a: {  	[tilespmem:s25], [sflag:$0x1] =	stream.indirect_vreg.gather [hbm4b:s10+s4], $0x80, v7, vm0, $0xb8;
	[tilespmem:$0x12500] =	vst v63  }
0x22b: {  	s26 =	simm.s32 $0x9D00  }
0x22c: {  	[tilespmem:s26], [sflag:$0x1] =	stream.indirect_vreg.gather [hbm4b:s11+s4], $0x80, v7, vm0, $0xb8;
	[tilespmem:$0x12500] =	vst v63  }
0x22d: {  	_ =	swait.ge [sflag:s12], $0x8000  }
0x22e: {  	[sflag:s12] =	ssyncset.done $0x0  }
0x22f: {  	[sflag:s12] =	ssyncadd.s32 $0xFFFF8000  }
0x230: {  	_ =	swait.ge [sflag:s17], $0x8000  }
0x231: {  	[sflag:s17] =	ssyncset.done $0x0  }
0x232: {  	s2 =	rddreg [dreg:$0x9];
	[sflag:s17] =	ssyncadd.s32 $0xFFFF8000  }
0x233: {  	[hbm4b:s2+s4] =	stream.linear.scatter [tilespmem:s18], [sflag:$0x2], $0x8000, $0x38;
	[tilespmem:$0x12500] =	vst v63  }
0x234: {  	v7 =	vld [tilespmem:$0x1060];
	_ =	sdelay $0x4  }
0x235: {  	v8 =	vshll.u32 v7, $0x3  }
0x236: {  	v7 =	vand.u32 $0x7, v7;
	v8 =	vand.u32 $0xFFFFFFC0, v8  }
0x237: {  	v7 =	vor.u32 v7, v8  }
0x238: {  	v8 =	vperm.xlane v7, v4;
	_ =	sdelay $0x1  }
0x239: {  	v8 =	vadd.s32 v5, v8;
	_ =	sdelay $0x4  }
0x23a: {  	[tilespmem:s15], [sflag:$0x1] =	stream.indirect_vreg.gather [hbm4b:s1+s4], $0x80, v8, vm0, $0xb8;
	[tilespmem:$0x12500] =	vst v63  }
0x23b: {  	s2 =	simm.s32 $0xAD00;
	v7 =	vperm.xlane v7, v6  }
0x23c: {  	[tilespmem:s2], [sflag:$0x1] =	stream.indirect_vreg.gather [hbm4b:s9+s4], $0x80, v8, vm0, $0xb8;
	[tilespmem:$0x12500] =	vst v63  }
0x23d: {  	s0 =	simm.s32 $0xB500;
	v7 =	vadd.s32 v5, v7  }
0x23e: {  	[tilespmem:s0], [sflag:$0x1] =	stream.indirect_vreg.gather [hbm4b:s10+s4], $0x80, v8, vm0, $0xb8;
	[tilespmem:$0x12500] =	vst v63  }
0x23f: {  	s3 =	simm.s32 $0xBD00  }
0x240: {  	[tilespmem:s3], [sflag:$0x1] =	stream.indirect_vreg.gather [hbm4b:s11+s4], $0x80, v8, vm0, $0xb8;
	[tilespmem:$0x12500] =	vst v63  }
0x241: {  	s21 =	simm.s32 $0xC500  }
0x242: {  	[tilespmem:s21], [sflag:$0x1] =	stream.indirect_vreg.gather [hbm4b:s1+s4], $0x80, v7, vm0, $0xb8;
	[tilespmem:$0x12500] =	vst v63  }
0x243: {  	s30 =	simm.s32 $0xCD00  }
0x244: {  	[tilespmem:s30], [sflag:$0x1] =	stream.indirect_vreg.gather [hbm4b:s9+s4], $0x80, v7, vm0, $0xb8;
	[tilespmem:$0x12500] =	vst v63  }
0x245: {  	s3 =	simm.s32 $0xD500  }
0x246: {  	[tilespmem:s3], [sflag:$0x1] =	stream.indirect_vreg.gather [hbm4b:s10+s4], $0x80, v7, vm0, $0xb8;
	[tilespmem:$0x12500] =	vst v63  }
0x247: {  	s20 =	simm.s32 $0xDD00  }
0x248: {  	[tilespmem:s20], [sflag:$0x1] =	stream.indirect_vreg.gather [hbm4b:s11+s4], $0x80, v7, vm0, $0xb8;
	[tilespmem:$0x12500] =	vst v63  }
0x249: {  	v7 =	vld [tilespmem:$0x1070];
	_ =	sdelay $0x4  }
0x24a: {  	v8 =	vshll.u32 v7, $0x3  }
0x24b: {  	v7 =	vand.u32 $0x7, v7;
	v8 =	vand.u32 $0xFFFFFFC0, v8  }
0x24c: {  	v7 =	vor.u32 v7, v8  }
0x24d: {  	v8 =	vperm.xlane v7, v4;
	_ =	sdelay $0x1  }
0x24e: {  	v8 =	vadd.s32 v5, v8;
	_ =	sdelay $0x3  }
0x24f: {  	s14 =	simm.s32 $0xE500  }
0x250: {  	[tilespmem:s14], [sflag:$0x1] =	stream.indirect_vreg.gather [hbm4b:s1+s4], $0x80, v8, vm0, $0xb8;
	[tilespmem:$0x12500] =	vst v63  }
0x251: {  	s16 =	simm.s32 $0xED00;
	v7 =	vperm.xlane v7, v6  }
0x252: {  	[tilespmem:s16], [sflag:$0x1] =	stream.indirect_vreg.gather [hbm4b:s9+s4], $0x80, v8, vm0, $0xb8;
	[tilespmem:$0x12500] =	vst v63  }
0x253: {  	v7 =	vadd.s32 v5, v7;
	s14 =	simm.s32 $0xF500  }
0x254: {  	[tilespmem:s14], [sflag:$0x1] =	stream.indirect_vreg.gather [hbm4b:s10+s4], $0x80, v8, vm0, $0xb8;
	[tilespmem:$0x12500] =	vst v63  }
0x255: {  	s16 =	simm.s32 $0xFD00  }
0x256: {  	[tilespmem:s16], [sflag:$0x1] =	stream.indirect_vreg.gather [hbm4b:s11+s4], $0x80, v8, vm0, $0xb8;
	[tilespmem:$0x12500] =	vst v63  }
0x257: {  	s20 =	simm.s32 $0x10500  }
0x258: {  	[tilespmem:s20], [sflag:$0x1] =	stream.indirect_vreg.gather [hbm4b:s1+s4], $0x80, v7, vm0, $0xb8;
	[tilespmem:$0x12500] =	vst v63  }
0x259: {  	s20 =	simm.s32 $0x10D00  }
0x25a: {  	[tilespmem:s20], [sflag:$0x1] =	stream.indirect_vreg.gather [hbm4b:s9+s4], $0x80, v7, vm0, $0xb8;
	[tilespmem:$0x12500] =	vst v63  }
0x25b: {  	s3 =	simm.s32 $0x11500  }
0x25c: {  	[tilespmem:s3], [sflag:$0x1] =	stream.indirect_vreg.gather [hbm4b:s10+s4], $0x80, v7, vm0, $0xb8;
	[tilespmem:$0x12500] =	vst v63  }
0x25d: {  	s19 =	simm.s32 $0x11D00  }
0x25e: {  	[tilespmem:s19], [sflag:$0x1] =	stream.indirect_vreg.gather [hbm4b:s11+s4], $0x80, v7, vm0, $0xb8;
	[tilespmem:$0x12500] =	vst v63  }
0x25f: {  	_ =	swait.ge [sflag:s12], $0x8000  }
0x260: {  	[sflag:s12] =	ssyncset.done $0x0  }
0x261: {  	[sflag:s12] =	ssyncadd.s32 $0xFFFF8000  }
0x262: {  	_ =	swait.ge [sflag:s17], $0x8000  }
0x263: {  	[sflag:s17] =	ssyncset.done $0x0  }
0x264: {  	s19 =	rddreg [dreg:$0xa];
	[sflag:s17] =	ssyncadd.s32 $0xFFFF8000  }
0x265: {  	[hbm4b:s19+s4] =	stream.linear.scatter [tilespmem:s15], [sflag:$0x2], $0x8000, $0x38;
	[tilespmem:$0x12500] =	vst v63  }
0x266: {  	v7 =	vld [tilespmem:$0x1080];
	_ =	sdelay $0x4  }
0x267: {  	v8 =	vshll.u32 v7, $0x3  }
0x268: {  	v7 =	vand.u32 $0x7, v7;
	v8 =	vand.u32 $0xFFFFFFC0, v8  }
0x269: {  	v7 =	vor.u32 v7, v8  }
0x26a: {  	v8 =	vperm.xlane v7, v4;
	_ =	sdelay $0x1  }
0x26b: {  	v8 =	vadd.s32 v5, v8;
	_ =	sdelay $0x4  }
0x26c: {  	[tilespmem:s18], [sflag:$0x1] =	stream.indirect_vreg.gather [hbm4b:s1+s4], $0x80, v8, vm0, $0xb8;
	[tilespmem:$0x12500] =	vst v63  }
0x26d: {  	s19 =	simm.s32 $0x2D00;
	v7 =	vperm.xlane v7, v6  }
0x26e: {  	[tilespmem:s19], [sflag:$0x1] =	stream.indirect_vreg.gather [hbm4b:s9+s4], $0x80, v8, vm0, $0xb8;
	[tilespmem:$0x12500] =	vst v63  }
0x26f: {  	s31 =	simm.s32 $0x3500;
	v7 =	vadd.s32 v5, v7  }
0x270: {  	[tilespmem:s31], [sflag:$0x1] =	stream.indirect_vreg.gather [hbm4b:s10+s4], $0x80, v8, vm0, $0xb8;
	[tilespmem:$0x12500] =	vst v63  }
0x271: {  	_ = 	snop  }
0x272: {  	[tilespmem:s22], [sflag:$0x1] =	stream.indirect_vreg.gather [hbm4b:s11+s4], $0x80, v8, vm0, $0xb8;
	[tilespmem:$0x12500] =	vst v63  }
0x273: {  	_ = 	snop  }
0x274: {  	[tilespmem:s5], [sflag:$0x1] =	stream.indirect_vreg.gather [hbm4b:s1+s4], $0x80, v7, vm0, $0xb8;
	[tilespmem:$0x12500] =	vst v63  }
0x275: {  	_ = 	snop  }
0x276: {  	[tilespmem:s6], [sflag:$0x1] =	stream.indirect_vreg.gather [hbm4b:s9+s4], $0x80, v7, vm0, $0xb8;
	[tilespmem:$0x12500] =	vst v63  }
0x277: {  	_ = 	snop  }
0x278: {  	[tilespmem:s7], [sflag:$0x1] =	stream.indirect_vreg.gather [hbm4b:s10+s4], $0x80, v7, vm0, $0xb8;
	[tilespmem:$0x12500] =	vst v63  }
0x279: {  	s31 =	simm.s32 $0x5D00  }
0x27a: {  	[tilespmem:s31], [sflag:$0x1] =	stream.indirect_vreg.gather [hbm4b:s11+s4], $0x80, v7, vm0, $0xb8;
	[tilespmem:$0x12500] =	vst v63  }
0x27b: {  	v7 =	vld [tilespmem:$0x1090];
	_ =	sdelay $0x4  }
0x27c: {  	v8 =	vshll.u32 v7, $0x3  }
0x27d: {  	v7 =	vand.u32 $0x7, v7;
	v8 =	vand.u32 $0xFFFFFFC0, v8  }
0x27e: {  	v7 =	vor.u32 v7, v8  }
0x27f: {  	v8 =	vperm.xlane v7, v4;
	_ =	sdelay $0x1  }
0x280: {  	v8 =	vadd.s32 v5, v8;
	_ =	sdelay $0x3  }
0x281: {  	s22 =	simm.s32 $0x6500  }
0x282: {  	[tilespmem:s22], [sflag:$0x1] =	stream.indirect_vreg.gather [hbm4b:s1+s4], $0x80, v8, vm0, $0xb8;
	[tilespmem:$0x12500] =	vst v63  }
0x283: {  	s31 =	simm.s32 $0x6D00;
	v7 =	vperm.xlane v7, v6  }
0x284: {  	[tilespmem:s31], [sflag:$0x1] =	stream.indirect_vreg.gather [hbm4b:s9+s4], $0x80, v8, vm0, $0xb8;
	[tilespmem:$0x12500] =	vst v63  }
0x285: {  	v7 =	vadd.s32 v5, v7;
	s22 =	simm.s32 $0x7500  }
0x286: {  	[tilespmem:s22], [sflag:$0x1] =	stream.indirect_vreg.gather [hbm4b:s10+s4], $0x80, v8, vm0, $0xb8;
	[tilespmem:$0x12500] =	vst v63  }
0x287: {  	_ = 	snop  }
0x288: {  	[tilespmem:s8], [sflag:$0x1] =	stream.indirect_vreg.gather [hbm4b:s11+s4], $0x80, v8, vm0, $0xb8;
	[tilespmem:$0x12500] =	vst v63  }
0x289: {  	_ = 	snop  }
0x28a: {  	[tilespmem:s29], [sflag:$0x1] =	stream.indirect_vreg.gather [hbm4b:s1+s4], $0x80, v7, vm0, $0xb8;
	[tilespmem:$0x12500] =	vst v63  }
0x28b: {  	_ = 	snop  }
0x28c: {  	[tilespmem:s24], [sflag:$0x1] =	stream.indirect_vreg.gather [hbm4b:s9+s4], $0x80, v7, vm0, $0xb8;
	[tilespmem:$0x12500] =	vst v63  }
0x28d: {  	_ = 	snop  }
0x28e: {  	[tilespmem:s25], [sflag:$0x1] =	stream.indirect_vreg.gather [hbm4b:s10+s4], $0x80, v7, vm0, $0xb8;
	[tilespmem:$0x12500] =	vst v63  }
0x28f: {  	_ = 	snop  }
0x290: {  	[tilespmem:s26], [sflag:$0x1] =	stream.indirect_vreg.gather [hbm4b:s11+s4], $0x80, v7, vm0, $0xb8;
	[tilespmem:$0x12500] =	vst v63  }
0x291: {  	_ =	swait.ge [sflag:s12], $0x8000  }
0x292: {  	[sflag:s12] =	ssyncset.done $0x0  }
0x293: {  	[sflag:s12] =	ssyncadd.s32 $0xFFFF8000  }
0x294: {  	_ =	swait.ge [sflag:s17], $0x8000  }
0x295: {  	[sflag:s17] =	ssyncset.done $0x0  }
0x296: {  	s29 =	rddreg [dreg:$0xb];
	[sflag:s17] =	ssyncadd.s32 $0xFFFF8000  }
0x297: {  	[hbm4b:s29+s4] =	stream.linear.scatter [tilespmem:s18], [sflag:$0x2], $0x8000, $0x38;
	[tilespmem:$0x12500] =	vst v63  }
0x298: {  	v7 =	vld [tilespmem:$0x10A0];
	_ =	sdelay $0x4  }
0x299: {  	v8 =	vshll.u32 v7, $0x3  }
0x29a: {  	v7 =	vand.u32 $0x7, v7;
	v8 =	vand.u32 $0xFFFFFFC0, v8  }
0x29b: {  	v7 =	vor.u32 v7, v8  }
0x29c: {  	v8 =	vperm.xlane v7, v4;
	_ =	sdelay $0x1  }
0x29d: {  	v8 =	vadd.s32 v5, v8;
	_ =	sdelay $0x4  }
0x29e: {  	[tilespmem:s15], [sflag:$0x1] =	stream.indirect_vreg.gather [hbm4b:s1+s4], $0x80, v8, vm0, $0xb8;
	[tilespmem:$0x12500] =	vst v63  }
0x29f: {  	v7 =	vperm.xlane v7, v6  }
0x2a0: {  	[tilespmem:s2], [sflag:$0x1] =	stream.indirect_vreg.gather [hbm4b:s9+s4], $0x80, v8, vm0, $0xb8;
	[tilespmem:$0x12500] =	vst v63  }
0x2a1: {  	v7 =	vadd.s32 v5, v7  }
0x2a2: {  	[tilespmem:s0], [sflag:$0x1] =	stream.indirect_vreg.gather [hbm4b:s10+s4], $0x80, v8, vm0, $0xb8;
	[tilespmem:$0x12500] =	vst v63  }
0x2a3: {  	s29 =	simm.s32 $0xBD00  }
0x2a4: {  	[tilespmem:s29], [sflag:$0x1] =	stream.indirect_vreg.gather [hbm4b:s11+s4], $0x80, v8, vm0, $0xb8;
	[tilespmem:$0x12500] =	vst v63  }
0x2a5: {  	s21 =	simm.s32 $0xC500  }
0x2a6: {  	[tilespmem:s21], [sflag:$0x1] =	stream.indirect_vreg.gather [hbm4b:s1+s4], $0x80, v7, vm0, $0xb8;
	[tilespmem:$0x12500] =	vst v63  }
0x2a7: {  	s30 =	simm.s32 $0xCD00  }
0x2a8: {  	[tilespmem:s30], [sflag:$0x1] =	stream.indirect_vreg.gather [hbm4b:s9+s4], $0x80, v7, vm0, $0xb8;
	[tilespmem:$0x12500] =	vst v63  }
0x2a9: {  	s30 =	simm.s32 $0xD500  }
0x2aa: {  	[tilespmem:s30], [sflag:$0x1] =	stream.indirect_vreg.gather [hbm4b:s10+s4], $0x80, v7, vm0, $0xb8;
	[tilespmem:$0x12500] =	vst v63  }
0x2ab: {  	s3 =	simm.s32 $0xDD00  }
0x2ac: {  	[tilespmem:s3], [sflag:$0x1] =	stream.indirect_vreg.gather [hbm4b:s11+s4], $0x80, v7, vm0, $0xb8;
	[tilespmem:$0x12500] =	vst v63  }
0x2ad: {  	v7 =	vld [tilespmem:$0x10B0];
	_ =	sdelay $0x4  }
0x2ae: {  	v8 =	vshll.u32 v7, $0x3  }
0x2af: {  	v7 =	vand.u32 $0x7, v7;
	v8 =	vand.u32 $0xFFFFFFC0, v8  }
0x2b0: {  	v7 =	vor.u32 v7, v8  }
0x2b1: {  	v8 =	vperm.xlane v7, v4;
	_ =	sdelay $0x1  }
0x2b2: {  	v8 =	vadd.s32 v5, v8;
	_ =	sdelay $0x3  }
0x2b3: {  	s3 =	simm.s32 $0xE500  }
0x2b4: {  	[tilespmem:s3], [sflag:$0x1] =	stream.indirect_vreg.gather [hbm4b:s1+s4], $0x80, v8, vm0, $0xb8;
	[tilespmem:$0x12500] =	vst v63  }
0x2b5: {  	v7 =	vperm.xlane v7, v6;
	s3 =	simm.s32 $0xED00  }
0x2b6: {  	[tilespmem:s3], [sflag:$0x1] =	stream.indirect_vreg.gather [hbm4b:s9+s4], $0x80, v8, vm0, $0xb8;
	[tilespmem:$0x12500] =	vst v63  }
0x2b7: {  	s14 =	simm.s32 $0xF500;
	v7 =	vadd.s32 v5, v7  }
0x2b8: {  	[tilespmem:s14], [sflag:$0x1] =	stream.indirect_vreg.gather [hbm4b:s10+s4], $0x80, v8, vm0, $0xb8;
	[tilespmem:$0x12500] =	vst v63  }
0x2b9: {  	s16 =	simm.s32 $0xFD00  }
0x2ba: {  	[tilespmem:s16], [sflag:$0x1] =	stream.indirect_vreg.gather [hbm4b:s11+s4], $0x80, v8, vm0, $0xb8;
	[tilespmem:$0x12500] =	vst v63  }
0x2bb: {  	s3 =	simm.s32 $0x10500  }
0x2bc: {  	[tilespmem:s3], [sflag:$0x1] =	stream.indirect_vreg.gather [hbm4b:s1+s4], $0x80, v7, vm0, $0xb8;
	[tilespmem:$0x12500] =	vst v63  }
0x2bd: {  	s20 =	simm.s32 $0x10D00  }
0x2be: {  	[tilespmem:s20], [sflag:$0x1] =	stream.indirect_vreg.gather [hbm4b:s9+s4], $0x80, v7, vm0, $0xb8;
	[tilespmem:$0x12500] =	vst v63  }
0x2bf: {  	s3 =	simm.s32 $0x11500  }
0x2c0: {  	[tilespmem:s3], [sflag:$0x1] =	stream.indirect_vreg.gather [hbm4b:s10+s4], $0x80, v7, vm0, $0xb8;
	[tilespmem:$0x12500] =	vst v63  }
0x2c1: {  	s3 =	simm.s32 $0x11D00  }
0x2c2: {  	[tilespmem:s3], [sflag:$0x1] =	stream.indirect_vreg.gather [hbm4b:s11+s4], $0x80, v7, vm0, $0xb8;
	[tilespmem:$0x12500] =	vst v63  }
0x2c3: {  	_ =	swait.ge [sflag:s12], $0x8000  }
0x2c4: {  	[sflag:s12] =	ssyncset.done $0x0  }
0x2c5: {  	[sflag:s12] =	ssyncadd.s32 $0xFFFF8000  }
0x2c6: {  	_ =	swait.ge [sflag:s17], $0x8000  }
0x2c7: {  	[sflag:s17] =	ssyncset.done $0x0  }
0x2c8: {  	s3 =	rddreg [dreg:$0xc];
	[sflag:s17] =	ssyncadd.s32 $0xFFFF8000  }
0x2c9: {  	[hbm4b:s3+s4] =	stream.linear.scatter [tilespmem:s15], [sflag:$0x2], $0x8000, $0x38;
	[tilespmem:$0x12500] =	vst v63  }
0x2ca: {  	v7 =	vld [tilespmem:$0x10C0];
	_ =	sdelay $0x4  }
0x2cb: {  	v8 =	vshll.u32 v7, $0x3  }
0x2cc: {  	v7 =	vand.u32 $0x7, v7;
	v8 =	vand.u32 $0xFFFFFFC0, v8  }
0x2cd: {  	v7 =	vor.u32 v7, v8  }
0x2ce: {  	v8 =	vperm.xlane v7, v4;
	_ =	sdelay $0x1  }
0x2cf: {  	v8 =	vadd.s32 v5, v8;
	_ =	sdelay $0x4  }
0x2d0: {  	[tilespmem:s18], [sflag:$0x1] =	stream.indirect_vreg.gather [hbm4b:s1+s4], $0x80, v8, vm0, $0xb8;
	[tilespmem:$0x12500] =	vst v63  }
0x2d1: {  	s3 =	simm.s32 $0x2D00;
	v7 =	vperm.xlane v7, v6  }
0x2d2: {  	[tilespmem:s3], [sflag:$0x1] =	stream.indirect_vreg.gather [hbm4b:s9+s4], $0x80, v8, vm0, $0xb8;
	[tilespmem:$0x12500] =	vst v63  }
0x2d3: {  	v7 =	vadd.s32 v5, v7;
	s3 =	simm.s32 $0x3500  }
0x2d4: {  	[tilespmem:s3], [sflag:$0x1] =	stream.indirect_vreg.gather [hbm4b:s10+s4], $0x80, v8, vm0, $0xb8;
	[tilespmem:$0x12500] =	vst v63  }
0x2d5: {  	s19 =	simm.s32 $0x3D00  }
0x2d6: {  	[tilespmem:s19], [sflag:$0x1] =	stream.indirect_vreg.gather [hbm4b:s11+s4], $0x80, v8, vm0, $0xb8;
	[tilespmem:$0x12500] =	vst v63  }
0x2d7: {  	s5 =	simm.s32 $0x4500  }
0x2d8: {  	[tilespmem:s5], [sflag:$0x1] =	stream.indirect_vreg.gather [hbm4b:s1+s4], $0x80, v7, vm0, $0xb8;
	[tilespmem:$0x12500] =	vst v63  }
0x2d9: {  	s6 =	simm.s32 $0x4D00  }
0x2da: {  	[tilespmem:s6], [sflag:$0x1] =	stream.indirect_vreg.gather [hbm4b:s9+s4], $0x80, v7, vm0, $0xb8;
	[tilespmem:$0x12500] =	vst v63  }
0x2db: {  	s7 =	simm.s32 $0x5500  }
0x2dc: {  	[tilespmem:s7], [sflag:$0x1] =	stream.indirect_vreg.gather [hbm4b:s10+s4], $0x80, v7, vm0, $0xb8;
	[tilespmem:$0x12500] =	vst v63  }
0x2dd: {  	s5 =	simm.s32 $0x5D00  }
0x2de: {  	[tilespmem:s5], [sflag:$0x1] =	stream.indirect_vreg.gather [hbm4b:s11+s4], $0x80, v7, vm0, $0xb8;
	[tilespmem:$0x12500] =	vst v63  }
0x2df: {  	v7 =	vld [tilespmem:$0x10D0];
	_ =	sdelay $0x4  }
0x2e0: {  	v8 =	vshll.u32 v7, $0x3  }
0x2e1: {  	v7 =	vand.u32 $0x7, v7;
	v8 =	vand.u32 $0xFFFFFFC0, v8  }
0x2e2: {  	v7 =	vor.u32 v7, v8  }
0x2e3: {  	v8 =	vperm.xlane v7, v4;
	_ =	sdelay $0x1  }
0x2e4: {  	v8 =	vadd.s32 v5, v8;
	_ =	sdelay $0x3  }
0x2e5: {  	s6 =	simm.s32 $0x6500  }
0x2e6: {  	[tilespmem:s6], [sflag:$0x1] =	stream.indirect_vreg.gather [hbm4b:s1+s4], $0x80, v8, vm0, $0xb8;
	[tilespmem:$0x12500] =	vst v63  }
0x2e7: {  	s7 =	simm.s32 $0x6D00;
	v7 =	vperm.xlane v7, v6  }
0x2e8: {  	[tilespmem:s7], [sflag:$0x1] =	stream.indirect_vreg.gather [hbm4b:s9+s4], $0x80, v8, vm0, $0xb8;
	[tilespmem:$0x12500] =	vst v63  }
0x2e9: {  	s31 =	simm.s32 $0x7500;
	v7 =	vadd.s32 v5, v7  }
0x2ea: {  	[tilespmem:s31], [sflag:$0x1] =	stream.indirect_vreg.gather [hbm4b:s10+s4], $0x80, v8, vm0, $0xb8;
	[tilespmem:$0x12500] =	vst v63  }
0x2eb: {  	s8 =	simm.s32 $0x7D00  }
0x2ec: {  	[tilespmem:s8], [sflag:$0x1] =	stream.indirect_vreg.gather [hbm4b:s11+s4], $0x80, v8, vm0, $0xb8;
	[tilespmem:$0x12500] =	vst v63  }
0x2ed: {  	s22 =	simm.s32 $0x8500  }
0x2ee: {  	[tilespmem:s22], [sflag:$0x1] =	stream.indirect_vreg.gather [hbm4b:s1+s4], $0x80, v7, vm0, $0xb8;
	[tilespmem:$0x12500] =	vst v63  }
0x2ef: {  	s24 =	simm.s32 $0x8D00  }
0x2f0: {  	[tilespmem:s24], [sflag:$0x1] =	stream.indirect_vreg.gather [hbm4b:s9+s4], $0x80, v7, vm0, $0xb8;
	[tilespmem:$0x12500] =	vst v63  }
0x2f1: {  	s25 =	simm.s32 $0x9500  }
0x2f2: {  	[tilespmem:s25], [sflag:$0x1] =	stream.indirect_vreg.gather [hbm4b:s10+s4], $0x80, v7, vm0, $0xb8;
	[tilespmem:$0x12500] =	vst v63  }
0x2f3: {  	s26 =	simm.s32 $0x9D00  }
0x2f4: {  	[tilespmem:s26], [sflag:$0x1] =	stream.indirect_vreg.gather [hbm4b:s11+s4], $0x80, v7, vm0, $0xb8;
	[tilespmem:$0x12500] =	vst v63  }
0x2f5: {  	_ =	swait.ge [sflag:s12], $0x8000  }
0x2f6: {  	[sflag:s12] =	ssyncset.done $0x0  }
0x2f7: {  	[sflag:s12] =	ssyncadd.s32 $0xFFFF8000  }
0x2f8: {  	_ =	swait.ge [sflag:s17], $0x8000  }
0x2f9: {  	[sflag:s17] =	ssyncset.done $0x0  }
0x2fa: {  	s8 =	rddreg [dreg:$0xd];
	[sflag:s17] =	ssyncadd.s32 $0xFFFF8000  }
0x2fb: {  	[hbm4b:s8+s4] =	stream.linear.scatter [tilespmem:s18], [sflag:$0x2], $0x8000, $0x38;
	[tilespmem:$0x12500] =	vst v63  }
0x2fc: {  	v7 =	vld [tilespmem:$0x10E0];
	_ =	sdelay $0x4  }
0x2fd: {  	v8 =	vshll.u32 v7, $0x3  }
0x2fe: {  	v7 =	vand.u32 $0x7, v7;
	v8 =	vand.u32 $0xFFFFFFC0, v8  }
0x2ff: {  	v7 =	vor.u32 v7, v8  }
0x300: {  	v8 =	vperm.xlane v7, v4;
	_ =	sdelay $0x1  }
0x301: {  	v8 =	vadd.s32 v5, v8;
	_ =	sdelay $0x4  }
0x302: {  	[tilespmem:s15], [sflag:$0x1] =	stream.indirect_vreg.gather [hbm4b:s1+s4], $0x80, v8, vm0, $0xb8;
	[tilespmem:$0x12500] =	vst v63  }
0x303: {  	s2 =	simm.s32 $0xAD00;
	v7 =	vperm.xlane v7, v6  }
0x304: {  	[tilespmem:s2], [sflag:$0x1] =	stream.indirect_vreg.gather [hbm4b:s9+s4], $0x80, v8, vm0, $0xb8;
	[tilespmem:$0x12500] =	vst v63  }
0x305: {  	s0 =	simm.s32 $0xB500;
	v7 =	vadd.s32 v5, v7  }
0x306: {  	[tilespmem:s0], [sflag:$0x1] =	stream.indirect_vreg.gather [hbm4b:s10+s4], $0x80, v8, vm0, $0xb8;
	[tilespmem:$0x12500] =	vst v63  }
0x307: {  	s19 =	simm.s32 $0xBD00  }
0x308: {  	[tilespmem:s19], [sflag:$0x1] =	stream.indirect_vreg.gather [hbm4b:s11+s4], $0x80, v8, vm0, $0xb8;
	[tilespmem:$0x12500] =	vst v63  }
0x309: {  	s29 =	simm.s32 $0xC500  }
0x30a: {  	[tilespmem:s29], [sflag:$0x1] =	stream.indirect_vreg.gather [hbm4b:s1+s4], $0x80, v7, vm0, $0xb8;
	[tilespmem:$0x12500] =	vst v63  }
0x30b: {  	s21 =	simm.s32 $0xCD00  }
0x30c: {  	[tilespmem:s21], [sflag:$0x1] =	stream.indirect_vreg.gather [hbm4b:s9+s4], $0x80, v7, vm0, $0xb8;
	[tilespmem:$0x12500] =	vst v63  }
0x30d: {  	s30 =	simm.s32 $0xD500  }
0x30e: {  	[tilespmem:s30], [sflag:$0x1] =	stream.indirect_vreg.gather [hbm4b:s10+s4], $0x80, v7, vm0, $0xb8;
	[tilespmem:$0x12500] =	vst v63  }
0x30f: {  	s22 =	simm.s32 $0xDD00  }
0x310: {  	[tilespmem:s22], [sflag:$0x1] =	stream.indirect_vreg.gather [hbm4b:s11+s4], $0x80, v7, vm0, $0xb8;
	[tilespmem:$0x12500] =	vst v63  }
0x311: {  	v7 =	vld [tilespmem:$0x10F0];
	_ =	sdelay $0x4  }
0x312: {  	v8 =	vshll.u32 v7, $0x3  }
0x313: {  	v7 =	vand.u32 $0x7, v7;
	v8 =	vand.u32 $0xFFFFFFC0, v8  }
0x314: {  	v7 =	vor.u32 v7, v8  }
0x315: {  	v8 =	vperm.xlane v7, v4;
	_ =	sdelay $0x1  }
0x316: {  	v8 =	vadd.s32 v5, v8;
	_ =	sdelay $0x3  }
0x317: {  	s24 =	simm.s32 $0xE500  }
0x318: {  	[tilespmem:s24], [sflag:$0x1] =	stream.indirect_vreg.gather [hbm4b:s1+s4], $0x80, v8, vm0, $0xb8;
	[tilespmem:$0x12500] =	vst v63  }
0x319: {  	s25 =	simm.s32 $0xED00;
	v7 =	vperm.xlane v7, v6  }
0x31a: {  	[tilespmem:s25], [sflag:$0x1] =	stream.indirect_vreg.gather [hbm4b:s9+s4], $0x80, v8, vm0, $0xb8;
	[tilespmem:$0x12500] =	vst v63  }
0x31b: {  	s14 =	simm.s32 $0xF500;
	v7 =	vadd.s32 v5, v7  }
0x31c: {  	[tilespmem:s14], [sflag:$0x1] =	stream.indirect_vreg.gather [hbm4b:s10+s4], $0x80, v8, vm0, $0xb8;
	[tilespmem:$0x12500] =	vst v63  }
0x31d: {  	s16 =	simm.s32 $0xFD00  }
0x31e: {  	[tilespmem:s16], [sflag:$0x1] =	stream.indirect_vreg.gather [hbm4b:s11+s4], $0x80, v8, vm0, $0xb8;
	[tilespmem:$0x12500] =	vst v63  }
0x31f: {  	s26 =	simm.s32 $0x10500  }
0x320: {  	[tilespmem:s26], [sflag:$0x1] =	stream.indirect_vreg.gather [hbm4b:s1+s4], $0x80, v7, vm0, $0xb8;
	[tilespmem:$0x12500] =	vst v63  }
0x321: {  	s20 =	simm.s32 $0x10D00  }
0x322: {  	[tilespmem:s20], [sflag:$0x1] =	stream.indirect_vreg.gather [hbm4b:s9+s4], $0x80, v7, vm0, $0xb8;
	[tilespmem:$0x12500] =	vst v63  }
0x323: {  	s29 =	simm.s32 $0x11500  }
0x324: {  	[tilespmem:s29], [sflag:$0x1] =	stream.indirect_vreg.gather [hbm4b:s10+s4], $0x80, v7, vm0, $0xb8;
	[tilespmem:$0x12500] =	vst v63  }
0x325: {  	s30 =	simm.s32 $0x11D00  }
0x326: {  	[tilespmem:s30], [sflag:$0x1] =	stream.indirect_vreg.gather [hbm4b:s11+s4], $0x80, v7, vm0, $0xb8;
	[tilespmem:$0x12500] =	vst v63  }
0x327: {  	_ =	swait.ge [sflag:s12], $0x8000  }
0x328: {  	[sflag:s12] =	ssyncset.done $0x0  }
0x329: {  	[sflag:s12] =	ssyncadd.s32 $0xFFFF8000  }
0x32a: {  	_ =	swait.ge [sflag:s17], $0x8000  }
0x32b: {  	[sflag:s17] =	ssyncset.done $0x0  }
.Ltmp7:
0x32c: {  	s31 =	rddreg [dreg:$0xe];
	[sflag:s17] =	ssyncadd.s32 $0xFFFF8000;
	(pc) =	sbr.rel .LBB2_11-.Ltmp7, $4  }
0x32d: {  	[hbm4b:s31+s4] =	stream.linear.scatter [tilespmem:s15], [sflag:$0x2], $0x8000, $0x38;
	[tilespmem:$0x12500] =	vst v63  }
0x32e: {  	_ =	swait.ge [sflag:s12], $0x8000  }
0x32f: {  	[sflag:s12] =	ssyncset.done $0x0;
	s14 =	rddreg [dreg:$0x10]  }
0x330: {  	s0 =	simm.s32 $0x1200;
	s5 =	rddreg [dreg:$0xf];
	[sflag:s12] =	ssyncadd.s32 $0xFFFF8000  }
.LBB2_12:
0x331: {  	_ =	sfence.sel $0x180000  }
0x332: {  	[bflag:$0x0] =	sbarrier.arrive $0xFFFF  }
0x333: {  	_ =	strace $0x90000047  }
0x334: {  	s0 =	stileid.u32;
	[bflag:$0x2] =	sbarrier.arrive $0xFFFF  }
0x335: {  	p0 =	sne.s32 s0, $0x0;
	s0 =	rddreg [dreg:$0x3]  }
0x336: {  	s0 =	sadd.s32 @!p0 $0x100000, s0  }
0x337: {  	[sflag:s0] =	ssyncadd.tile.s32 @!p0 $0x1;
	_ =	shalt  }
.Lfunc_end2:
_tile_overlayer_lowered:
.L_overlay_start_2:
0x338: {  	(tag) =	ssettag $0x2  }
0x339: {  	s0 =	rddreg [dreg:$0x0];
	s2 =	stileid.u32  }
0x33a: {  	s1 =	rddreg [dreg:$0x1];
	p0 =	sne.s32 s2, $0x0  }
0x33b: {  	s3 =	rddreg [dreg:$0x2];
	[bflag:$0x3] =	sbarrier.arrive $0xFFFF;
	s2 =	simm.s32 @!p0 $0x1C03  }
0x33c: {  	[timem:s3], [sflag:s2] =	dma.local @!p0 [hbm:s0], s1  }
0x33d: {  	s0 =	simm.s32 @!p0 $0x3  }
0x33e: {  	_ =	swait.ge @!p0 [sflag:s0], s1  }
0x33f: {  	s1 =	ssub.s32 @!p0 $0x0, s1;
	[sflag:s0] =	ssyncset.done @!p0 $0x0  }
0x340: {  	[sflag:s0] =	ssyncadd.s32 @!p0 s1  }
0x341: {  	[bflag:$0x3] =	sbarrier.arrive $0xFFFF  }
0x342: {  	_ =	shalt  }

</sc_bundles>
